<compile_context>
chip_gen: v7x
topology: tpu7x:2x2x1
jax: 0.10.2.dev20260603
libtpu: 0.0.44.dev20260713+nightly
codegen_flags: <defaults>
</compile_context>

<pallas_src>
import functools

import jax
import jax.numpy as jnp
from jax import lax
from jax.experimental import pallas as pl
from jax.experimental.pallas import tpu as pltpu
from jax.experimental.pallas import tpu_sc as plsc

B, C, H, W = 128, 768, 14, 14
E = 64
TOP_K = 8
HW = H * W
TAIL = 56
HEAD = HW - TAIL
HW_BLK = 14
NEG = -3.0e38

N_CORES = 2
N_SUBCORES = 16
N_WORKERS = N_CORES * N_SUBCORES
RPW = B // N_WORKERS
CH = 8
N_CHUNKS = TAIL // CH
LANES_PER_ROW = C // 16


def _head_pool_body(x_ref, out_ref, acc_ref):
    i = pl.program_id(0)

    @pl.when(i == 0)
    def _init():
        acc_ref[...] = jnp.zeros_like(acc_ref)

    acc_ref[...] += jnp.sum(x_ref[...], axis=0)

    @pl.when(i == pl.num_programs(0) - 1)
    def _out():
        out_ref[...] = acc_ref[...]


def _sc_tail_pool_body(xs_hbm, out_hbm, buf, acc):
    wid = lax.axis_index("s") * N_CORES + lax.axis_index("c")
    base = wid * RPW

    def _zero(i, _):
        acc[0, pl.ds(i * 16, 16)] = jnp.zeros((16,), jnp.float32)
        acc[1, pl.ds(i * 16, 16)] = jnp.zeros((16,), jnp.float32)
        acc[2, pl.ds(i * 16, 16)] = jnp.zeros((16,), jnp.float32)
        acc[3, pl.ds(i * 16, 16)] = jnp.zeros((16,), jnp.float32)
        return 0
    lax.fori_loop(0, LANES_PER_ROW, _zero, 0)

    def _chunk(c, _):
        pltpu.sync_copy(
            xs_hbm.at[pl.ds(HEAD + c * CH, CH), pl.ds(base, RPW)], buf)

        def _lane(i, _):
            off = i * 16
            for r in range(RPW):
                s = acc[r, pl.ds(off, 16)]
                for t in range(CH):
                    s = s + buf[t, r, pl.ds(off, 16)]
                acc[r, pl.ds(off, 16)] = s
            return 0
        lax.fori_loop(0, LANES_PER_ROW, _lane, 0)
        return 0
    lax.fori_loop(0, N_CHUNKS, _chunk, 0)

    pltpu.sync_copy(acc, out_hbm.at[pl.ds(base, RPW)])


_sc_tail_pool = functools.partial(
    pl.kernel,
    out_type=jax.ShapeDtypeStruct((B, C), jnp.float32),
    mesh=plsc.VectorSubcoreMesh(core_axis_name="c", subcore_axis_name="s"),
    compiler_params=pltpu.CompilerParams(needs_layout_passes=False),
    scratch_types=[
        pltpu.VMEM((CH, RPW, C), jnp.float32),
        pltpu.VMEM((RPW, C), jnp.float32),
    ],
)(_sc_tail_pool_body)


def _combine_gate_body(a_ref, b_ref, w_ref, out_ref):
    pooled = (a_ref[...] + b_ref[...]) * jnp.float32(1.0 / HW)
    logits = jnp.dot(pooled, w_ref[...],
                     preferred_element_type=jnp.float32)
    cols = jax.lax.broadcasted_iota(jnp.int32, (B, E), 1)
    selected = jnp.zeros((B, E), dtype=jnp.bool_)
    avail = logits
    for _ in range(TOP_K):
        m = jnp.max(avail, axis=1, keepdims=True)
        cand = avail == m
        idx = jnp.min(jnp.where(cand, cols, E), axis=1, keepdims=True)
        first = cand & (cols == idx)
        selected = selected | first
        avail = jnp.where(first, NEG, avail)
    mx = jnp.max(jnp.where(selected, logits, NEG), axis=1, keepdims=True)
    ex = jnp.where(selected, jnp.exp(logits - mx), jnp.float32(0.0))
    out_ref[...] = ex / jnp.sum(ex, axis=1, keepdims=True)


@jax.jit
def kernel(x, W_gate):
    xs = jnp.transpose(x, (2, 3, 0, 1)).reshape(HW, B, C)
    part_sc = _sc_tail_pool(xs)
    part_tc = pl.pallas_call(
        _head_pool_body,
        grid=(HEAD // HW_BLK,),
        in_specs=[pl.BlockSpec((HW_BLK, B, C), lambda i: (i, 0, 0))],
        out_specs=pl.BlockSpec((B, C), lambda i: (0, 0)),
        out_shape=jax.ShapeDtypeStruct((B, C), jnp.float32),
        scratch_shapes=[pltpu.VMEM((B, C), jnp.float32)],
    )(xs)
    return pl.pallas_call(
        _combine_gate_body,
        in_specs=[
            pl.BlockSpec((B, C), lambda: (0, 0)),
            pl.BlockSpec((B, C), lambda: (0, 0)),
            pl.BlockSpec((C, E), lambda: (0, 0)),
        ],
        out_specs=pl.BlockSpec((B, E), lambda: (0, 0)),
        out_shape=jax.ShapeDtypeStruct((B, E), jnp.float32),
    )(part_tc, part_sc, W_gate)

# --- scband reference (transcript-rebuilt; emitter-appended) ---
"""Pipeline reference for scband-base-gating-network-5918464934318 (READ-ONLY COPY).

The authoritative reference and input builder live on the scoring server;
editing this copy changes nothing except your own understanding.
"""

import jax, jax.numpy as jnp
import numpy as np

B, C, H, W = 128, 768, 14, 14
E = 64
TOP_K = 8

def setup_inputs(seed: int = 0) -> dict:
    key = jax.random.key(seed)
    k1, k2 = jax.random.split(key)
    x = jax.random.normal(k1, (B, C, H, W), dtype=jnp.float32)
    # Learned gate projection (concrete forward: pooled features -> expert logits)
    W_gate = jax.random.normal(k2, (C, E), dtype=jnp.float32) * (1.0 / np.sqrt(C))
    return {"x": x, "W_gate": W_gate}

def reference(x, W_gate):
    # forward: gate_logits from adaptive-avg-pooled features (eval mode, use_noise=False)
    pooled = jnp.mean(x, axis=(2, 3))                  # AdaptiveAvgPool2d((1,1)) + Flatten -> [B, C]
    gate_logits = pooled @ W_gate                      # [B, E]
    # compute_gating: top-k selection, softmax over selected logits, scatter into dense weights
    top_k_logits, top_k_indices = jax.lax.top_k(gate_logits, TOP_K)   # [B, K]
    top_k_weights = jax.nn.softmax(top_k_logits, axis=1)              # [B, K]
    weights = jnp.zeros_like(gate_logits)
    rows = jnp.arange(gate_logits.shape[0])[:, None]
    weights = weights.at[rows, top_k_indices].set(top_k_weights)      # scatter-overwrite
    return weights

if __name__ == "__main__":
    import jax
    _d = setup_inputs()
    print(jax.jit(kernel)(*tuple(_d.values())))

</pallas_src>

<mosaic_0001>
#map = affine_map<(d0, d1) -> (0, 0, 0)>
#map1 = affine_map<(d0, d1) -> (0, 0)>
module attributes {stable_mosaic.version = 14 : i64} {
  func.func @_sc_tail_pool_body(%arg0: i32, %arg1: i32, %arg2: memref<196x128x768xf32, #tpu.memory_space<hbm>>, %arg3: memref<128x768xf32, #tpu.memory_space<hbm>>, %arg4: memref<8x4x768xf32, #tpu.memory_space<vmem>>, %arg5: memref<4x768xf32, #tpu.memory_space<vmem>>) attributes {dimension_semantics = [#tpu.dimension_semantics<core_parallel>, #tpu.dimension_semantics<subcore_parallel>], iteration_bounds = array<i64: 2, 16>, scalar_prefetch = 0 : i64, scratch_operands = 2 : i64, tpu.core_type = #tpu.core_type<sc_vector_subcore>, window_params = [{transform_indices = #map}, {transform_indices = #map1}]} {
    %mul3A = arith.constant 2 : i32
    %mul3A_0 = arith.muli %arg1, %mul3A : i32
    %add3A = arith.addi %mul3A_0, %arg0 : i32
    %mul3A_1 = arith.constant 4 : i32
    %mul3A_2 = arith.muli %add3A, %mul3A_1 : i32
    %scan3A = arith.constant 0 : i32
    %scan3A_3 = arith.constant 0 : i32
    %scan3A_4 = arith.constant 48 : i32
    %scan3A_5 = arith.addi %scan3A_3, %scan3A_4 : i32
    %scan3A_6 = arith.constant 1 : i32
    %scan3A_7 = scf.for %scan3A_16 = %scan3A_3 to %scan3A_5 step %scan3A_6 iter_args(%scan3A_17 = %scan3A) -> (i32)  : i32 {
      %broadcast_in_dim3A = arith.constant 0.000000e+00 : f32
      %broadcast_in_dim3A_18 = vector.broadcast %broadcast_in_dim3A : f32 to vector<16xf32>
      %mul3A_19 = arith.constant 16 : i32
      %mul3A_20 = arith.muli %scan3A_16, %mul3A_19 : i32
      %swap3A = arith.constant 0 : i32
      %swap3A_21 = arith.index_cast %swap3A : i32 to index
      %swap3A_22 = arith.index_cast %mul3A_20 : i32 to index
      %swap3A_23 = tpu.vector_load %arg5[%swap3A_21, %swap3A_22] {strides = array<i32>} : memref<4x768xf32, #tpu.memory_space<vmem>>, vector<16xf32>,
      tpu.vector_store %arg5[%swap3A_21, %swap3A_22], %broadcast_in_dim3A_18 {strides = array<i32>} : memref<4x768xf32, #tpu.memory_space<vmem>>, vector<16xf32>,
      %broadcast_in_dim3A_24 = arith.constant 0.000000e+00 : f32
      %broadcast_in_dim3A_25 = vector.broadcast %broadcast_in_dim3A_24 : f32 to vector<16xf32>
      %mul3A_26 = arith.constant 16 : i32
      %mul3A_27 = arith.muli %scan3A_16, %mul3A_26 : i32
      %swap3A_28 = arith.constant 1 : i32
      %swap3A_29 = arith.index_cast %swap3A_28 : i32 to index
      %swap3A_30 = arith.index_cast %mul3A_27 : i32 to index
      %swap3A_31 = tpu.vector_load %arg5[%swap3A_29, %swap3A_30] {strides = array<i32>} : memref<4x768xf32, #tpu.memory_space<vmem>>, vector<16xf32>,
      tpu.vector_store %arg5[%swap3A_29, %swap3A_30], %broadcast_in_dim3A_25 {strides = array<i32>} : memref<4x768xf32, #tpu.memory_space<vmem>>, vector<16xf32>,
      %broadcast_in_dim3A_32 = arith.constant 0.000000e+00 : f32
      %broadcast_in_dim3A_33 = vector.broadcast %broadcast_in_dim3A_32 : f32 to vector<16xf32>
      %mul3A_34 = arith.constant 16 : i32
      %mul3A_35 = arith.muli %scan3A_16, %mul3A_34 : i32
      %swap3A_36 = arith.constant 2 : i32
      %swap3A_37 = arith.index_cast %swap3A_36 : i32 to index
      %swap3A_38 = arith.index_cast %mul3A_35 : i32 to index
      %swap3A_39 = tpu.vector_load %arg5[%swap3A_37, %swap3A_38] {strides = array<i32>} : memref<4x768xf32, #tpu.memory_space<vmem>>, vector<16xf32>,
      tpu.vector_store %arg5[%swap3A_37, %swap3A_38], %broadcast_in_dim3A_33 {strides = array<i32>} : memref<4x768xf32, #tpu.memory_space<vmem>>, vector<16xf32>,
      %broadcast_in_dim3A_40 = arith.constant 0.000000e+00 : f32
      %broadcast_in_dim3A_41 = vector.broadcast %broadcast_in_dim3A_40 : f32 to vector<16xf32>
      %mul3A_42 = arith.constant 16 : i32
      %mul3A_43 = arith.muli %scan3A_16, %mul3A_42 : i32
      %swap3A_44 = arith.constant 3 : i32
      %swap3A_45 = arith.index_cast %swap3A_44 : i32 to index
      %swap3A_46 = arith.index_cast %mul3A_43 : i32 to index
      %swap3A_47 = tpu.vector_load %arg5[%swap3A_45, %swap3A_46] {strides = array<i32>} : memref<4x768xf32, #tpu.memory_space<vmem>>, vector<16xf32>,
      tpu.vector_store %arg5[%swap3A_45, %swap3A_46], %broadcast_in_dim3A_41 {strides = array<i32>} : memref<4x768xf32, #tpu.memory_space<vmem>>, vector<16xf32>,
      %scan3A_48 = arith.constant 0 : i32
      scf.yield %scan3A_48 : i32
    }
    %scan3A_8 = arith.constant 48 : i32
    %scan3A_9 = arith.constant 0 : i32
    %scan3A_10 = arith.constant 0 : i32
    %scan3A_11 = arith.constant 7 : i32
    %scan3A_12 = arith.addi %scan3A_10, %scan3A_11 : i32
    %scan3A_13 = arith.constant 1 : i32
    %scan3A_14 = scf.for %scan3A_16 = %scan3A_10 to %scan3A_12 step %scan3A_13 iter_args(%scan3A_17 = %scan3A_9) -> (i32)  : i32 {
      %mul3A_18 = arith.constant 8 : i32
      %mul3A_19 = arith.muli %scan3A_16, %mul3A_18 : i32
      %add3A_20 = arith.constant 140 : i32
      %add3A_21 = arith.addi %add3A_20, %mul3A_19 : i32
      "tpu.region"() ({
        %run_scoped3A = tpu.sem_alloc : memref<!tpu.dma_semaphore, #tpu.memory_space<semaphore_mem>>
        %dma_start3A = arith.constant 0 : i32
        %dma_start3A_30 = tpu.memref_slice %arg2[%add3A_21, %mul3A_2, %dma_start3A] : memref<196x128x768xf32, #tpu.memory_space<hbm>> -> memref<8x4x768xf32, #tpu.memory_space<hbm>>
        %dma_start3A_31 = arith.constant 0 : i32
        %dma_start3A_32 = tpu.memref_slice %arg2[%add3A_21, %mul3A_2, %dma_start3A_31] : memref<196x128x768xf32, #tpu.memory_space<hbm>> -> memref<8x4x768xf32, #tpu.memory_space<hbm>>
        tpu.enqueue_dma source(%dma_start3A_32 : memref<8x4x768xf32, #tpu.memory_space<hbm>>) target(%arg4 : memref<8x4x768xf32, #tpu.memory_space<vmem>>) target_semaphore(%run_scoped3A : memref<!tpu.dma_semaphore, #tpu.memory_space<semaphore_mem>>)
        %dma_wait3A = arith.constant 0 : i32
        %dma_wait3A_33 = tpu.memref_slice %arg2[%add3A_21, %mul3A_2, %dma_wait3A] : memref<196x128x768xf32, #tpu.memory_space<hbm>> -> memref<8x4x768xf32, #tpu.memory_space<hbm>>
        %dma_wait3A_34 = arith.constant 0 : i32
        %dma_wait3A_35 = tpu.memref_slice %arg2[%add3A_21, %mul3A_2, %dma_wait3A_34] : memref<196x128x768xf32, #tpu.memory_space<hbm>> -> memref<8x4x768xf32, #tpu.memory_space<hbm>>
        tpu.wait_dma2 semaphore(%run_scoped3A : memref<!tpu.dma_semaphore, #tpu.memory_space<semaphore_mem>>) src(%dma_wait3A_35 : memref<8x4x768xf32, #tpu.memory_space<hbm>>) dst(%arg4 : memref<8x4x768xf32, #tpu.memory_space<vmem>>)
        tpu.yield
      }) : () -> ()
      %scan3A_22 = arith.constant 0 : i32
      %scan3A_23 = arith.constant 0 : i32
      %scan3A_24 = arith.constant 48 : i32
      %scan3A_25 = arith.addi %scan3A_23, %scan3A_24 : i32
      %scan3A_26 = arith.constant 1 : i32
      %scan3A_27 = scf.for %scan3A_30 = %scan3A_23 to %scan3A_25 step %scan3A_26 iter_args(%scan3A_31 = %scan3A_22) -> (i32)  : i32 {
        %mul3A_32 = arith.constant 16 : i32
        %mul3A_33 = arith.muli %scan3A_30, %mul3A_32 : i32
        %get3A = arith.constant 0 : i32
        %get3A_34 = arith.index_cast %get3A : i32 to index
        %get3A_35 = arith.index_cast %mul3A_33 : i32 to index
        %get3A_36 = tpu.vector_load %arg5[%get3A_34, %get3A_35] {strides = array<i32>} : memref<4x768xf32, #tpu.memory_space<vmem>>, vector<16xf32>,
        %get3A_37 = arith.constant 0 : i32
        %get3A_38 = arith.constant 0 : i32
        %get3A_39 = arith.index_cast %get3A_37 : i32 to index
        %get3A_40 = arith.index_cast %get3A_38 : i32 to index
        %get3A_41 = arith.index_cast %mul3A_33 : i32 to index
        %get3A_42 = tpu.vector_load %arg4[%get3A_39, %get3A_40, %get3A_41] {strides = array<i32>} : memref<8x4x768xf32, #tpu.memory_space<vmem>>, vector<16xf32>,
        %add3A_43 = arith.addf %get3A_36, %get3A_42 : vector<16xf32>
        %get3A_44 = arith.constant 1 : i32
        %get3A_45 = arith.constant 0 : i32
        %get3A_46 = arith.index_cast %get3A_44 : i32 to index
        %get3A_47 = arith.index_cast %get3A_45 : i32 to index
        %get3A_48 = arith.index_cast %mul3A_33 : i32 to index
        %get3A_49 = tpu.vector_load %arg4[%get3A_46, %get3A_47, %get3A_48] {strides = array<i32>} : memref<8x4x768xf32, #tpu.memory_space<vmem>>, vector<16xf32>,
        %add3A_50 = arith.addf %add3A_43, %get3A_49 : vector<16xf32>
        %get3A_51 = arith.constant 2 : i32
        %get3A_52 = arith.constant 0 : i32
        %get3A_53 = arith.index_cast %get3A_51 : i32 to index
        %get3A_54 = arith.index_cast %get3A_52 : i32 to index
        %get3A_55 = arith.index_cast %mul3A_33 : i32 to index
        %get3A_56 = tpu.vector_load %arg4[%get3A_53, %get3A_54, %get3A_55] {strides = array<i32>} : memref<8x4x768xf32, #tpu.memory_space<vmem>>, vector<16xf32>,
        %add3A_57 = arith.addf %add3A_50, %get3A_56 : vector<16xf32>
        %get3A_58 = arith.constant 3 : i32
        %get3A_59 = arith.constant 0 : i32
        %get3A_60 = arith.index_cast %get3A_58 : i32 to index
        %get3A_61 = arith.index_cast %get3A_59 : i32 to index
        %get3A_62 = arith.index_cast %mul3A_33 : i32 to index
        %get3A_63 = tpu.vector_load %arg4[%get3A_60, %get3A_61, %get3A_62] {strides = array<i32>} : memref<8x4x768xf32, #tpu.memory_space<vmem>>, vector<16xf32>,
        %add3A_64 = arith.addf %add3A_57, %get3A_63 : vector<16xf32>
        %get3A_65 = arith.constant 4 : i32
        %get3A_66 = arith.constant 0 : i32
        %get3A_67 = arith.index_cast %get3A_65 : i32 to index
        %get3A_68 = arith.index_cast %get3A_66 : i32 to index
        %get3A_69 = arith.index_cast %mul3A_33 : i32 to index
        %get3A_70 = tpu.vector_load %arg4[%get3A_67, %get3A_68, %get3A_69] {strides = array<i32>} : memref<8x4x768xf32, #tpu.memory_space<vmem>>, vector<16xf32>,
        %add3A_71 = arith.addf %add3A_64, %get3A_70 : vector<16xf32>
        %get3A_72 = arith.constant 5 : i32
        %get3A_73 = arith.constant 0 : i32
        %get3A_74 = arith.index_cast %get3A_72 : i32 to index
        %get3A_75 = arith.index_cast %get3A_73 : i32 to index
        %get3A_76 = arith.index_cast %mul3A_33 : i32 to index
        %get3A_77 = tpu.vector_load %arg4[%get3A_74, %get3A_75, %get3A_76] {strides = array<i32>} : memref<8x4x768xf32, #tpu.memory_space<vmem>>, vector<16xf32>,
        %add3A_78 = arith.addf %add3A_71, %get3A_77 : vector<16xf32>
        %get3A_79 = arith.constant 6 : i32
        %get3A_80 = arith.constant 0 : i32
        %get3A_81 = arith.index_cast %get3A_79 : i32 to index
        %get3A_82 = arith.index_cast %get3A_80 : i32 to index
        %get3A_83 = arith.index_cast %mul3A_33 : i32 to index
        %get3A_84 = tpu.vector_load %arg4[%get3A_81, %get3A_82, %get3A_83] {strides = array<i32>} : memref<8x4x768xf32, #tpu.memory_space<vmem>>, vector<16xf32>,
        %add3A_85 = arith.addf %add3A_78, %get3A_84 : vector<16xf32>
        %get3A_86 = arith.constant 7 : i32
        %get3A_87 = arith.constant 0 : i32
        %get3A_88 = arith.index_cast %get3A_86 : i32 to index
        %get3A_89 = arith.index_cast %get3A_87 : i32 to index
        %get3A_90 = arith.index_cast %mul3A_33 : i32 to index
        %get3A_91 = tpu.vector_load %arg4[%get3A_88, %get3A_89, %get3A_90] {strides = array<i32>} : memref<8x4x768xf32, #tpu.memory_space<vmem>>, vector<16xf32>,
        %add3A_92 = arith.addf %add3A_85, %get3A_91 : vector<16xf32>
        %swap3A = arith.constant 0 : i32
        %swap3A_93 = arith.index_cast %swap3A : i32 to index
        %swap3A_94 = arith.index_cast %mul3A_33 : i32 to index
        %swap3A_95 = tpu.vector_load %arg5[%swap3A_93, %swap3A_94] {strides = array<i32>} : memref<4x768xf32, #tpu.memory_space<vmem>>, vector<16xf32>,
        tpu.vector_store %arg5[%swap3A_93, %swap3A_94], %add3A_92 {strides = array<i32>} : memref<4x768xf32, #tpu.memory_space<vmem>>, vector<16xf32>,
        %get3A_96 = arith.constant 1 : i32
        %get3A_97 = arith.index_cast %get3A_96 : i32 to index
        %get3A_98 = arith.index_cast %mul3A_33 : i32 to index
        %get3A_99 = tpu.vector_load %arg5[%get3A_97, %get3A_98] {strides = array<i32>} : memref<4x768xf32, #tpu.memory_space<vmem>>, vector<16xf32>,
        %get3A_100 = arith.constant 0 : i32
        %get3A_101 = arith.constant 1 : i32
        %get3A_102 = arith.index_cast %get3A_100 : i32 to index
        %get3A_103 = arith.index_cast %get3A_101 : i32 to index
        %get3A_104 = arith.index_cast %mul3A_33 : i32 to index
        %get3A_105 = tpu.vector_load %arg4[%get3A_102, %get3A_103, %get3A_104] {strides = array<i32>} : memref<8x4x768xf32, #tpu.memory_space<vmem>>, vector<16xf32>,
        %add3A_106 = arith.addf %get3A_99, %get3A_105 : vector<16xf32>
        %get3A_107 = arith.constant 1 : i32
        %get3A_108 = arith.constant 1 : i32
        %get3A_109 = arith.index_cast %get3A_107 : i32 to index
        %get3A_110 = arith.index_cast %get3A_108 : i32 to index
        %get3A_111 = arith.index_cast %mul3A_33 : i32 to index
        %get3A_112 = tpu.vector_load %arg4[%get3A_109, %get3A_110, %get3A_111] {strides = array<i32>} : memref<8x4x768xf32, #tpu.memory_space<vmem>>, vector<16xf32>,
        %add3A_113 = arith.addf %add3A_106, %get3A_112 : vector<16xf32>
        %get3A_114 = arith.constant 2 : i32
        %get3A_115 = arith.constant 1 : i32
        %get3A_116 = arith.index_cast %get3A_114 : i32 to index
        %get3A_117 = arith.index_cast %get3A_115 : i32 to index
        %get3A_118 = arith.index_cast %mul3A_33 : i32 to index
        %get3A_119 = tpu.vector_load %arg4[%get3A_116, %get3A_117, %get3A_118] {strides = array<i32>} : memref<8x4x768xf32, #tpu.memory_space<vmem>>, vector<16xf32>,
        %add3A_120 = arith.addf %add3A_113, %get3A_119 : vector<16xf32>
        %get3A_121 = arith.constant 3 : i32
        %get3A_122 = arith.constant 1 : i32
        %get3A_123 = arith.index_cast %get3A_121 : i32 to index
        %get3A_124 = arith.index_cast %get3A_122 : i32 to index
        %get3A_125 = arith.index_cast %mul3A_33 : i32 to index
        %get3A_126 = tpu.vector_load %arg4[%get3A_123, %get3A_124, %get3A_125] {strides = array<i32>} : memref<8x4x768xf32, #tpu.memory_space<vmem>>, vector<16xf32>,
        %add3A_127 = arith.addf %add3A_120, %get3A_126 : vector<16xf32>
        %get3A_128 = arith.constant 4 : i32
        %get3A_129 = arith.constant 1 : i32
        %get3A_130 = arith.index_cast %get3A_128 : i32 to index
        %get3A_131 = arith.index_cast %get3A_129 : i32 to index
        %get3A_132 = arith.index_cast %mul3A_33 : i32 to index
        %get3A_133 = tpu.vector_load %arg4[%get3A_130, %get3A_131, %get3A_132] {strides = array<i32>} : memref<8x4x768xf32, #tpu.memory_space<vmem>>, vector<16xf32>,
        %add3A_134 = arith.addf %add3A_127, %get3A_133 : vector<16xf32>
        %get3A_135 = arith.constant 5 : i32
        %get3A_136 = arith.constant 1 : i32
        %get3A_137 = arith.index_cast %get3A_135 : i32 to index
        %get3A_138 = arith.index_cast %get3A_136 : i32 to index
        %get3A_139 = arith.index_cast %mul3A_33 : i32 to index
        %get3A_140 = tpu.vector_load %arg4[%get3A_137, %get3A_138, %get3A_139] {strides = array<i32>} : memref<8x4x768xf32, #tpu.memory_space<vmem>>, vector<16xf32>,
        %add3A_141 = arith.addf %add3A_134, %get3A_140 : vector<16xf32>
        %get3A_142 = arith.constant 6 : i32
        %get3A_143 = arith.constant 1 : i32
        %get3A_144 = arith.index_cast %get3A_142 : i32 to index
        %get3A_145 = arith.index_cast %get3A_143 : i32 to index
        %get3A_146 = arith.index_cast %mul3A_33 : i32 to index
        %get3A_147 = tpu.vector_load %arg4[%get3A_144, %get3A_145, %get3A_146] {strides = array<i32>} : memref<8x4x768xf32, #tpu.memory_space<vmem>>, vector<16xf32>,
        %add3A_148 = arith.addf %add3A_141, %get3A_147 : vector<16xf32>
        %get3A_149 = arith.constant 7 : i32
        %get3A_150 = arith.constant 1 : i32
        %get3A_151 = arith.index_cast %get3A_149 : i32 to index
        %get3A_152 = arith.index_cast %get3A_150 : i32 to index
        %get3A_153 = arith.index_cast %mul3A_33 : i32 to index
        %get3A_154 = tpu.vector_load %arg4[%get3A_151, %get3A_152, %get3A_153] {strides = array<i32>} : memref<8x4x768xf32, #tpu.memory_space<vmem>>, vector<16xf32>,
        %add3A_155 = arith.addf %add3A_148, %get3A_154 : vector<16xf32>
        %swap3A_156 = arith.constant 1 : i32
        %swap3A_157 = arith.index_cast %swap3A_156 : i32 to index
        %swap3A_158 = arith.index_cast %mul3A_33 : i32 to index
        %swap3A_159 = tpu.vector_load %arg5[%swap3A_157, %swap3A_158] {strides = array<i32>} : memref<4x768xf32, #tpu.memory_space<vmem>>, vector<16xf32>,
        tpu.vector_store %arg5[%swap3A_157, %swap3A_158], %add3A_155 {strides = array<i32>} : memref<4x768xf32, #tpu.memory_space<vmem>>, vector<16xf32>,
        %get3A_160 = arith.constant 2 : i32
        %get3A_161 = arith.index_cast %get3A_160 : i32 to index
        %get3A_162 = arith.index_cast %mul3A_33 : i32 to index
        %get3A_163 = tpu.vector_load %arg5[%get3A_161, %get3A_162] {strides = array<i32>} : memref<4x768xf32, #tpu.memory_space<vmem>>, vector<16xf32>,
        %get3A_164 = arith.constant 0 : i32
        %get3A_165 = arith.constant 2 : i32
        %get3A_166 = arith.index_cast %get3A_164 : i32 to index
        %get3A_167 = arith.index_cast %get3A_165 : i32 to index
        %get3A_168 = arith.index_cast %mul3A_33 : i32 to index
        %get3A_169 = tpu.vector_load %arg4[%get3A_166, %get3A_167, %get3A_168] {strides = array<i32>} : memref<8x4x768xf32, #tpu.memory_space<vmem>>, vector<16xf32>,
        %add3A_170 = arith.addf %get3A_163, %get3A_169 : vector<16xf32>
        %get3A_171 = arith.constant 1 : i32
        %get3A_172 = arith.constant 2 : i32
        %get3A_173 = arith.index_cast %get3A_171 : i32 to index
        %get3A_174 = arith.index_cast %get3A_172 : i32 to index
        %get3A_175 = arith.index_cast %mul3A_33 : i32 to index
        %get3A_176 = tpu.vector_load %arg4[%get3A_173, %get3A_174, %get3A_175] {strides = array<i32>} : memref<8x4x768xf32, #tpu.memory_space<vmem>>, vector<16xf32>,
        %add3A_177 = arith.addf %add3A_170, %get3A_176 : vector<16xf32>
        %get3A_178 = arith.constant 2 : i32
        %get3A_179 = arith.constant 2 : i32
        %get3A_180 = arith.index_cast %get3A_178 : i32 to index
        %get3A_181 = arith.index_cast %get3A_179 : i32 to index
        %get3A_182 = arith.index_cast %mul3A_33 : i32 to index
        %get3A_183 = tpu.vector_load %arg4[%get3A_180, %get3A_181, %get3A_182] {strides = array<i32>} : memref<8x4x768xf32, #tpu.memory_space<vmem>>, vector<16xf32>,
        %add3A_184 = arith.addf %add3A_177, %get3A_183 : vector<16xf32>
        %get3A_185 = arith.constant 3 : i32
        %get3A_186 = arith.constant 2 : i32
        %get3A_187 = arith.index_cast %get3A_185 : i32 to index
        %get3A_188 = arith.index_cast %get3A_186 : i32 to index
        %get3A_189 = arith.index_cast %mul3A_33 : i32 to index
        %get3A_190 = tpu.vector_load %arg4[%get3A_187, %get3A_188, %get3A_189] {strides = array<i32>} : memref<8x4x768xf32, #tpu.memory_space<vmem>>, vector<16xf32>,
        %add3A_191 = arith.addf %add3A_184, %get3A_190 : vector<16xf32>
        %get3A_192 = arith.constant 4 : i32
        %get3A_193 = arith.constant 2 : i32
        %get3A_194 = arith.index_cast %get3A_192 : i32 to index
        %get3A_195 = arith.index_cast %get3A_193 : i32 to index
        %get3A_196 = arith.index_cast %mul3A_33 : i32 to index
        %get3A_197 = tpu.vector_load %arg4[%get3A_194, %get3A_195, %get3A_196] {strides = array<i32>} : memref<8x4x768xf32, #tpu.memory_space<vmem>>, vector<16xf32>,
        %add3A_198 = arith.addf %add3A_191, %get3A_197 : vector<16xf32>
        %get3A_199 = arith.constant 5 : i32
        %get3A_200 = arith.constant 2 : i32
        %get3A_201 = arith.index_cast %get3A_199 : i32 to index
        %get3A_202 = arith.index_cast %get3A_200 : i32 to index
        %get3A_203 = arith.index_cast %mul3A_33 : i32 to index
        %get3A_204 = tpu.vector_load %arg4[%get3A_201, %get3A_202, %get3A_203] {strides = array<i32>} : memref<8x4x768xf32, #tpu.memory_space<vmem>>, vector<16xf32>,
        %add3A_205 = arith.addf %add3A_198, %get3A_204 : vector<16xf32>
        %get3A_206 = arith.constant 6 : i32
        %get3A_207 = arith.constant 2 : i32
        %get3A_208 = arith.index_cast %get3A_206 : i32 to index
        %get3A_209 = arith.index_cast %get3A_207 : i32 to index
        %get3A_210 = arith.index_cast %mul3A_33 : i32 to index
        %get3A_211 = tpu.vector_load %arg4[%get3A_208, %get3A_209, %get3A_210] {strides = array<i32>} : memref<8x4x768xf32, #tpu.memory_space<vmem>>, vector<16xf32>,
        %add3A_212 = arith.addf %add3A_205, %get3A_211 : vector<16xf32>
        %get3A_213 = arith.constant 7 : i32
        %get3A_214 = arith.constant 2 : i32
        %get3A_215 = arith.index_cast %get3A_213 : i32 to index
        %get3A_216 = arith.index_cast %get3A_214 : i32 to index
        %get3A_217 = arith.index_cast %mul3A_33 : i32 to index
        %get3A_218 = tpu.vector_load %arg4[%get3A_215, %get3A_216, %get3A_217] {strides = array<i32>} : memref<8x4x768xf32, #tpu.memory_space<vmem>>, vector<16xf32>,
        %add3A_219 = arith.addf %add3A_212, %get3A_218 : vector<16xf32>
        %swap3A_220 = arith.constant 2 : i32
        %swap3A_221 = arith.index_cast %swap3A_220 : i32 to index
        %swap3A_222 = arith.index_cast %mul3A_33 : i32 to index
        %swap3A_223 = tpu.vector_load %arg5[%swap3A_221, %swap3A_222] {strides = array<i32>} : memref<4x768xf32, #tpu.memory_space<vmem>>, vector<16xf32>,
        tpu.vector_store %arg5[%swap3A_221, %swap3A_222], %add3A_219 {strides = array<i32>} : memref<4x768xf32, #tpu.memory_space<vmem>>, vector<16xf32>,
        %get3A_224 = arith.constant 3 : i32
        %get3A_225 = arith.index_cast %get3A_224 : i32 to index
        %get3A_226 = arith.index_cast %mul3A_33 : i32 to index
        %get3A_227 = tpu.vector_load %arg5[%get3A_225, %get3A_226] {strides = array<i32>} : memref<4x768xf32, #tpu.memory_space<vmem>>, vector<16xf32>,
        %get3A_228 = arith.constant 0 : i32
        %get3A_229 = arith.constant 3 : i32
        %get3A_230 = arith.index_cast %get3A_228 : i32 to index
        %get3A_231 = arith.index_cast %get3A_229 : i32 to index
        %get3A_232 = arith.index_cast %mul3A_33 : i32 to index
        %get3A_233 = tpu.vector_load %arg4[%get3A_230, %get3A_231, %get3A_232] {strides = array<i32>} : memref<8x4x768xf32, #tpu.memory_space<vmem>>, vector<16xf32>,
        %add3A_234 = arith.addf %get3A_227, %get3A_233 : vector<16xf32>
        %get3A_235 = arith.constant 1 : i32
        %get3A_236 = arith.constant 3 : i32
        %get3A_237 = arith.index_cast %get3A_235 : i32 to index
        %get3A_238 = arith.index_cast %get3A_236 : i32 to index
        %get3A_239 = arith.index_cast %mul3A_33 : i32 to index
        %get3A_240 = tpu.vector_load %arg4[%get3A_237, %get3A_238, %get3A_239] {strides = array<i32>} : memref<8x4x768xf32, #tpu.memory_space<vmem>>, vector<16xf32>,
        %add3A_241 = arith.addf %add3A_234, %get3A_240 : vector<16xf32>
        %get3A_242 = arith.constant 2 : i32
        %get3A_243 = arith.constant 3 : i32
        %get3A_244 = arith.index_cast %get3A_242 : i32 to index
        %get3A_245 = arith.index_cast %get3A_243 : i32 to index
        %get3A_246 = arith.index_cast %mul3A_33 : i32 to index
        %get3A_247 = tpu.vector_load %arg4[%get3A_244, %get3A_245, %get3A_246] {strides = array<i32>} : memref<8x4x768xf32, #tpu.memory_space<vmem>>, vector<16xf32>,
        %add3A_248 = arith.addf %add3A_241, %get3A_247 : vector<16xf32>
        %get3A_249 = arith.constant 3 : i32
        %get3A_250 = arith.constant 3 : i32
        %get3A_251 = arith.index_cast %get3A_249 : i32 to index
        %get3A_252 = arith.index_cast %get3A_250 : i32 to index
        %get3A_253 = arith.index_cast %mul3A_33 : i32 to index
        %get3A_254 = tpu.vector_load %arg4[%get3A_251, %get3A_252, %get3A_253] {strides = array<i32>} : memref<8x4x768xf32, #tpu.memory_space<vmem>>, vector<16xf32>,
        %add3A_255 = arith.addf %add3A_248, %get3A_254 : vector<16xf32>
        %get3A_256 = arith.constant 4 : i32
        %get3A_257 = arith.constant 3 : i32
        %get3A_258 = arith.index_cast %get3A_256 : i32 to index
        %get3A_259 = arith.index_cast %get3A_257 : i32 to index
        %get3A_260 = arith.index_cast %mul3A_33 : i32 to index
        %get3A_261 = tpu.vector_load %arg4[%get3A_258, %get3A_259, %get3A_260] {strides = array<i32>} : memref<8x4x768xf32, #tpu.memory_space<vmem>>, vector<16xf32>,
        %add3A_262 = arith.addf %add3A_255, %get3A_261 : vector<16xf32>
        %get3A_263 = arith.constant 5 : i32
        %get3A_264 = arith.constant 3 : i32
        %get3A_265 = arith.index_cast %get3A_263 : i32 to index
        %get3A_266 = arith.index_cast %get3A_264 : i32 to index
        %get3A_267 = arith.index_cast %mul3A_33 : i32 to index
        %get3A_268 = tpu.vector_load %arg4[%get3A_265, %get3A_266, %get3A_267] {strides = array<i32>} : memref<8x4x768xf32, #tpu.memory_space<vmem>>, vector<16xf32>,
        %add3A_269 = arith.addf %add3A_262, %get3A_268 : vector<16xf32>
        %get3A_270 = arith.constant 6 : i32
        %get3A_271 = arith.constant 3 : i32
        %get3A_272 = arith.index_cast %get3A_270 : i32 to index
        %get3A_273 = arith.index_cast %get3A_271 : i32 to index
        %get3A_274 = arith.index_cast %mul3A_33 : i32 to index
        %get3A_275 = tpu.vector_load %arg4[%get3A_272, %get3A_273, %get3A_274] {strides = array<i32>} : memref<8x4x768xf32, #tpu.memory_space<vmem>>, vector<16xf32>,
        %add3A_276 = arith.addf %add3A_269, %get3A_275 : vector<16xf32>
        %get3A_277 = arith.constant 7 : i32
        %get3A_278 = arith.constant 3 : i32
        %get3A_279 = arith.index_cast %get3A_277 : i32 to index
        %get3A_280 = arith.index_cast %get3A_278 : i32 to index
        %get3A_281 = arith.index_cast %mul3A_33 : i32 to index
        %get3A_282 = tpu.vector_load %arg4[%get3A_279, %get3A_280, %get3A_281] {strides = array<i32>} : memref<8x4x768xf32, #tpu.memory_space<vmem>>, vector<16xf32>,
        %add3A_283 = arith.addf %add3A_276, %get3A_282 : vector<16xf32>
        %swap3A_284 = arith.constant 3 : i32
        %swap3A_285 = arith.index_cast %swap3A_284 : i32 to index
        %swap3A_286 = arith.index_cast %mul3A_33 : i32 to index
        %swap3A_287 = tpu.vector_load %arg5[%swap3A_285, %swap3A_286] {strides = array<i32>} : memref<4x768xf32, #tpu.memory_space<vmem>>, vector<16xf32>,
        tpu.vector_store %arg5[%swap3A_285, %swap3A_286], %add3A_283 {strides = array<i32>} : memref<4x768xf32, #tpu.memory_space<vmem>>, vector<16xf32>,
        %scan3A_288 = arith.constant 0 : i32
        scf.yield %scan3A_288 : i32
      }
      %scan3A_28 = arith.constant 48 : i32
      %scan3A_29 = arith.constant 0 : i32
      scf.yield %scan3A_29 : i32
    }
    %scan3A_15 = arith.constant 7 : i32
    "tpu.region"() ({
      %run_scoped3A = tpu.sem_alloc : memref<!tpu.dma_semaphore, #tpu.memory_space<semaphore_mem>>
      %dma_start3A = arith.constant 0 : i32
      %dma_start3A_16 = tpu.memref_slice %arg3[%mul3A_2, %dma_start3A] : memref<128x768xf32, #tpu.memory_space<hbm>> -> memref<4x768xf32, #tpu.memory_space<hbm>>
      %dma_start3A_17 = arith.constant 0 : i32
      %dma_start3A_18 = tpu.memref_slice %arg3[%mul3A_2, %dma_start3A_17] : memref<128x768xf32, #tpu.memory_space<hbm>> -> memref<4x768xf32, #tpu.memory_space<hbm>>
      tpu.enqueue_dma source(%arg5 : memref<4x768xf32, #tpu.memory_space<vmem>>) target(%dma_start3A_18 : memref<4x768xf32, #tpu.memory_space<hbm>>) target_semaphore(%run_scoped3A : memref<!tpu.dma_semaphore, #tpu.memory_space<semaphore_mem>>)
      %dma_wait3A = arith.constant 0 : i32
      %dma_wait3A_19 = tpu.memref_slice %arg3[%mul3A_2, %dma_wait3A] : memref<128x768xf32, #tpu.memory_space<hbm>> -> memref<4x768xf32, #tpu.memory_space<hbm>>
      %dma_wait3A_20 = arith.constant 0 : i32
      %dma_wait3A_21 = tpu.memref_slice %arg3[%mul3A_2, %dma_wait3A_20] : memref<128x768xf32, #tpu.memory_space<hbm>> -> memref<4x768xf32, #tpu.memory_space<hbm>>
      tpu.wait_dma2 semaphore(%run_scoped3A : memref<!tpu.dma_semaphore, #tpu.memory_space<semaphore_mem>>) src(%arg5 : memref<4x768xf32, #tpu.memory_space<vmem>>) dst(%dma_wait3A_21 : memref<4x768xf32, #tpu.memory_space<hbm>>)
      tpu.yield
    }) : () -> ()
    return
  }
}

module attributes {stable_mosaic.version = 14 : i64} {
  func.func @_head_pool_body(%arg0: i32, %arg1: memref<14x128x768xf32, #tpu.memory_space<vmem>>, %arg2: memref<128x768xf32, #tpu.memory_space<vmem>>, %arg3: memref<128x768xf32, #tpu.memory_space<vmem>>) attributes {dimension_semantics = [#tpu.dimension_semantics<arbitrary>], iteration_bounds = array<i64: 10>, scalar_prefetch = 0 : i64, scratch_operands = 1 : i64, tpu.core_type = #tpu.core_type<tc>, window_params = [{transform_indices = @transform_0, window_bounds = array<i64: 14, 128, 768>}, {pipeline_mode = #tpu.pipeline_mode<synchronous>, transform_indices = @transform_1, window_bounds = array<i64: 128, 768>}]} {
    %eq3A = arith.constant 0 : i32
    %eq3A_0 = arith.cmpi eq, %arg0, %eq3A : i32
    %convert_element_type3A = arith.extui %eq3A_0 : i1 to i32
    %cond3A = arith.constant 0 : i32
    %cond3A_1 = arith.cmpi ne, %convert_element_type3A, %cond3A : i32
    scf.if %cond3A_1 {
      %broadcast_in_dim3A = arith.constant 0.000000e+00 : f32
      %broadcast_in_dim3A_16 = vector.broadcast %broadcast_in_dim3A : f32 to vector<128x768xf32>
      %swap3A_17 = arith.constant 0 : index
      %swap3A_18 = arith.constant 0 : index
      %swap3A_19 = vector.load %arg3[%swap3A_17, %swap3A_18] : memref<128x768xf32, #tpu.memory_space<vmem>>, vector<128x768xf32>
      tpu.vector_store %arg3[%swap3A_17, %swap3A_18], %broadcast_in_dim3A_16 {strides = array<i32>} : memref<128x768xf32, #tpu.memory_space<vmem>>, vector<128x768xf32>,
    } else {
    }
    %get3A = arith.constant 0 : index
    %get3A_2 = arith.constant 0 : index
    %get3A_3 = vector.load %arg3[%get3A, %get3A_2] : memref<128x768xf32, #tpu.memory_space<vmem>>, vector<128x768xf32>
    %get3A_4 = arith.constant 0 : index
    %get3A_5 = arith.constant 0 : index
    %get3A_6 = arith.constant 0 : index
    %get3A_7 = vector.load %arg1[%get3A_4, %get3A_5, %get3A_6] : memref<14x128x768xf32, #tpu.memory_space<vmem>>, vector<14x128x768xf32>
    %reduce_sum3A = arith.constant dense<0.000000e+00> : vector<128x768xf32>
    %reduce_sum3A_8 = vector.multi_reduction <add>, %get3A_7, %reduce_sum3A [0] : vector<14x128x768xf32> to vector<128x768xf32>
    %add3A = arith.addf %get3A_3, %reduce_sum3A_8 : vector<128x768xf32>
    %swap3A = arith.constant 0 : index
    %swap3A_9 = arith.constant 0 : index
    %swap3A_10 = vector.load %arg3[%swap3A, %swap3A_9] : memref<128x768xf32, #tpu.memory_space<vmem>>, vector<128x768xf32>
    tpu.vector_store %arg3[%swap3A, %swap3A_9], %add3A {strides = array<i32>} : memref<128x768xf32, #tpu.memory_space<vmem>>, vector<128x768xf32>,
    %eq3A_11 = arith.constant 9 : i32
    %eq3A_12 = arith.cmpi eq, %arg0, %eq3A_11 : i32
    %convert_element_type3A_13 = arith.extui %eq3A_12 : i1 to i32
    %cond3A_14 = arith.constant 0 : i32
    %cond3A_15 = arith.cmpi ne, %convert_element_type3A_13, %cond3A_14 : i32
    scf.if %cond3A_15 {
      %get3A_16 = arith.constant 0 : index
      %get3A_17 = arith.constant 0 : index
      %get3A_18 = vector.load %arg3[%get3A_16, %get3A_17] : memref<128x768xf32, #tpu.memory_space<vmem>>, vector<128x768xf32>
      %swap3A_19 = arith.constant 0 : index
      %swap3A_20 = arith.constant 0 : index
      %swap3A_21 = vector.load %arg2[%swap3A_19, %swap3A_20] : memref<128x768xf32, #tpu.memory_space<vmem>>, vector<128x768xf32>
      tpu.vector_store %arg2[%swap3A_19, %swap3A_20], %get3A_18 {strides = array<i32>} : memref<128x768xf32, #tpu.memory_space<vmem>>, vector<128x768xf32>,
    } else {
    }
    return
  }
  func.func @transform_0(%arg0: i32) -> (i32, i32, i32) {
    %c0_i32 = arith.constant 0 : i32
    %c0_i32_0 = arith.constant 0 : i32
    %c0_i32_1 = arith.constant 0 : i32
    return %arg0, %c0_i32, %c0_i32_0 : i32, i32, i32
  }
  func.func @transform_1(%arg0: i32) -> (i32, i32) {
    %c0_i32 = arith.constant 0 : i32
    %c0_i32_0 = arith.constant 0 : i32
    %c0_i32_1 = arith.constant 0 : i32
    return %c0_i32, %c0_i32_0 : i32, i32
  }
}

module attributes {stable_mosaic.version = 14 : i64} {
  func.func @_combine_gate_body(%arg0: memref<128x768xf32, #tpu.memory_space<vmem>>, %arg1: memref<128x768xf32, #tpu.memory_space<vmem>>, %arg2: memref<768x64xf32, #tpu.memory_space<vmem>>, %arg3: memref<128x64xf32, #tpu.memory_space<vmem>>) attributes {dimension_semantics = [], scalar_prefetch = 0 : i64, scratch_operands = 0 : i64, tpu.core_type = #tpu.core_type<tc>} {
    %get3A = arith.constant 0 : index
    %get3A_0 = arith.constant 0 : index
    %get3A_1 = vector.load %arg0[%get3A, %get3A_0] : memref<128x768xf32, #tpu.memory_space<vmem>>, vector<128x768xf32>
    %get3A_2 = arith.constant 0 : index
    %get3A_3 = arith.constant 0 : index
    %get3A_4 = vector.load %arg1[%get3A_2, %get3A_3] : memref<128x768xf32, #tpu.memory_space<vmem>>, vector<128x768xf32>
    %add3A = arith.addf %get3A_1, %get3A_4 : vector<128x768xf32>
    %mul3A = arith.constant 0.00510204071 : f32
    %mul3A_5 = vector.broadcast %mul3A : f32 to vector<128x768xf32>
    %mul3A_6 = arith.mulf %add3A, %mul3A_5 : vector<128x768xf32>
    %get3A_7 = arith.constant 0 : index
    %get3A_8 = arith.constant 0 : index
    %get3A_9 = vector.load %arg2[%get3A_7, %get3A_8] : memref<768x64xf32, #tpu.memory_space<vmem>>, vector<768x64xf32>
    %dot_general3A = arith.constant dense<0.000000e+00> : vector<128x64xf32>
    %dot_general3A_10 = tpu.matmul %mul3A_6, %get3A_9, %dot_general3A {dimension_numbers = #tpu.dot_dimension_numbers<[1], [0], [0], [1], [0, 0, 1, 1], [], []>, transpose_lhs_hint = false} : vector<128x768xf32>, vector<768x64xf32>, vector<128x64xf32> -> vector<128x64xf32>
    %iota3A = tpu.iota {dimensions = array<i32: 1>} : vector<128x64xi32>
    %broadcast_in_dim3A = arith.constant false
    %broadcast_in_dim3A_11 = vector.broadcast %broadcast_in_dim3A : i1 to vector<128x64xi1>
    %reduce_max3A = arith.constant dense<0xFF800000> : vector<128xf32>
    %reduce_max3A_12 = vector.multi_reduction <maximumf>, %dot_general3A_10, %reduce_max3A [1] : vector<128x64xf32> to vector<128xf32>
    %broadcast_in_dim3A_13 = vector.shape_cast %reduce_max3A_12 : vector<128xf32> to vector<128x1xf32>
    %eq3A = vector.broadcast %broadcast_in_dim3A_13 : vector<128x1xf32> to vector<128x64xf32>
    %eq3A_14 = arith.cmpf oeq, %dot_general3A_10, %eq3A : vector<128x64xf32>
    %jit3A = arith.constant 64 : i32
    %broadcast_in_dim3A_15 = vector.broadcast %jit3A : i32 to vector<128x64xi32>
    %select_n3A = arith.select %eq3A_14, %iota3A, %broadcast_in_dim3A_15 : vector<128x64xi1>, vector<128x64xi32>
    %reduce_min3A = arith.constant dense<2147483647> : vector<128xi32>
    %reduce_min3A_16 = vector.multi_reduction <minsi>, %select_n3A, %reduce_min3A [1] : vector<128x64xi32> to vector<128xi32>
    %broadcast_in_dim3A_17 = vector.shape_cast %reduce_min3A_16 : vector<128xi32> to vector<128x1xi32>
    %eq3A_18 = vector.broadcast %broadcast_in_dim3A_17 : vector<128x1xi32> to vector<128x64xi32>
    %eq3A_19 = arith.cmpi eq, %iota3A, %eq3A_18 : vector<128x64xi32>
    %and3A = arith.andi %eq3A_14, %eq3A_19 : vector<128x64xi1>
    %or3A = arith.ori %broadcast_in_dim3A_11, %and3A : vector<128x64xi1>
    %jit3A_20 = arith.constant -3.000000e+38 : f32
    %broadcast_in_dim3A_21 = vector.broadcast %jit3A_20 : f32 to vector<128x64xf32>
    %select_n3A_22 = arith.select %and3A, %broadcast_in_dim3A_21, %dot_general3A_10 : vector<128x64xi1>, vector<128x64xf32>
    %reduce_max3A_23 = arith.constant dense<0xFF800000> : vector<128xf32>
    %reduce_max3A_24 = vector.multi_reduction <maximumf>, %select_n3A_22, %reduce_max3A_23 [1] : vector<128x64xf32> to vector<128xf32>
    %broadcast_in_dim3A_25 = vector.shape_cast %reduce_max3A_24 : vector<128xf32> to vector<128x1xf32>
    %eq3A_26 = vector.broadcast %broadcast_in_dim3A_25 : vector<128x1xf32> to vector<128x64xf32>
    %eq3A_27 = arith.cmpf oeq, %select_n3A_22, %eq3A_26 : vector<128x64xf32>
    %jit3A_28 = arith.constant 64 : i32
    %broadcast_in_dim3A_29 = vector.broadcast %jit3A_28 : i32 to vector<128x64xi32>
    %select_n3A_30 = arith.select %eq3A_27, %iota3A, %broadcast_in_dim3A_29 : vector<128x64xi1>, vector<128x64xi32>
    %reduce_min3A_31 = arith.constant dense<2147483647> : vector<128xi32>
    %reduce_min3A_32 = vector.multi_reduction <minsi>, %select_n3A_30, %reduce_min3A_31 [1] : vector<128x64xi32> to vector<128xi32>
    %broadcast_in_dim3A_33 = vector.shape_cast %reduce_min3A_32 : vector<128xi32> to vector<128x1xi32>
    %eq3A_34 = vector.broadcast %broadcast_in_dim3A_33 : vector<128x1xi32> to vector<128x64xi32>
    %eq3A_35 = arith.cmpi eq, %iota3A, %eq3A_34 : vector<128x64xi32>
    %and3A_36 = arith.andi %eq3A_27, %eq3A_35 : vector<128x64xi1>
    %or3A_37 = arith.ori %or3A, %and3A_36 : vector<128x64xi1>
    %jit3A_38 = arith.constant -3.000000e+38 : f32
    %broadcast_in_dim3A_39 = vector.broadcast %jit3A_38 : f32 to vector<128x64xf32>
    %select_n3A_40 = arith.select %and3A_36, %broadcast_in_dim3A_39, %select_n3A_22 : vector<128x64xi1>, vector<128x64xf32>
    %reduce_max3A_41 = arith.constant dense<0xFF800000> : vector<128xf32>
    %reduce_max3A_42 = vector.multi_reduction <maximumf>, %select_n3A_40, %reduce_max3A_41 [1] : vector<128x64xf32> to vector<128xf32>
    %broadcast_in_dim3A_43 = vector.shape_cast %reduce_max3A_42 : vector<128xf32> to vector<128x1xf32>
    %eq3A_44 = vector.broadcast %broadcast_in_dim3A_43 : vector<128x1xf32> to vector<128x64xf32>
    %eq3A_45 = arith.cmpf oeq, %select_n3A_40, %eq3A_44 : vector<128x64xf32>
    %jit3A_46 = arith.constant 64 : i32
    %broadcast_in_dim3A_47 = vector.broadcast %jit3A_46 : i32 to vector<128x64xi32>
    %select_n3A_48 = arith.select %eq3A_45, %iota3A, %broadcast_in_dim3A_47 : vector<128x64xi1>, vector<128x64xi32>
    %reduce_min3A_49 = arith.constant dense<2147483647> : vector<128xi32>
    %reduce_min3A_50 = vector.multi_reduction <minsi>, %select_n3A_48, %reduce_min3A_49 [1] : vector<128x64xi32> to vector<128xi32>
    %broadcast_in_dim3A_51 = vector.shape_cast %reduce_min3A_50 : vector<128xi32> to vector<128x1xi32>
    %eq3A_52 = vector.broadcast %broadcast_in_dim3A_51 : vector<128x1xi32> to vector<128x64xi32>
    %eq3A_53 = arith.cmpi eq, %iota3A, %eq3A_52 : vector<128x64xi32>
    %and3A_54 = arith.andi %eq3A_45, %eq3A_53 : vector<128x64xi1>
    %or3A_55 = arith.ori %or3A_37, %and3A_54 : vector<128x64xi1>
    %jit3A_56 = arith.constant -3.000000e+38 : f32
    %broadcast_in_dim3A_57 = vector.broadcast %jit3A_56 : f32 to vector<128x64xf32>
    %select_n3A_58 = arith.select %and3A_54, %broadcast_in_dim3A_57, %select_n3A_40 : vector<128x64xi1>, vector<128x64xf32>
    %reduce_max3A_59 = arith.constant dense<0xFF800000> : vector<128xf32>
    %reduce_max3A_60 = vector.multi_reduction <maximumf>, %select_n3A_58, %reduce_max3A_59 [1] : vector<128x64xf32> to vector<128xf32>
    %broadcast_in_dim3A_61 = vector.shape_cast %reduce_max3A_60 : vector<128xf32> to vector<128x1xf32>
    %eq3A_62 = vector.broadcast %broadcast_in_dim3A_61 : vector<128x1xf32> to vector<128x64xf32>
    %eq3A_63 = arith.cmpf oeq, %select_n3A_58, %eq3A_62 : vector<128x64xf32>
    %jit3A_64 = arith.constant 64 : i32
    %broadcast_in_dim3A_65 = vector.broadcast %jit3A_64 : i32 to vector<128x64xi32>
    %select_n3A_66 = arith.select %eq3A_63, %iota3A, %broadcast_in_dim3A_65 : vector<128x64xi1>, vector<128x64xi32>
    %reduce_min3A_67 = arith.constant dense<2147483647> : vector<128xi32>
    %reduce_min3A_68 = vector.multi_reduction <minsi>, %select_n3A_66, %reduce_min3A_67 [1] : vector<128x64xi32> to vector<128xi32>
    %broadcast_in_dim3A_69 = vector.shape_cast %reduce_min3A_68 : vector<128xi32> to vector<128x1xi32>
    %eq3A_70 = vector.broadcast %broadcast_in_dim3A_69 : vector<128x1xi32> to vector<128x64xi32>
    %eq3A_71 = arith.cmpi eq, %iota3A, %eq3A_70 : vector<128x64xi32>
    %and3A_72 = arith.andi %eq3A_63, %eq3A_71 : vector<128x64xi1>
    %or3A_73 = arith.ori %or3A_55, %and3A_72 : vector<128x64xi1>
    %jit3A_74 = arith.constant -3.000000e+38 : f32
    %broadcast_in_dim3A_75 = vector.broadcast %jit3A_74 : f32 to vector<128x64xf32>
    %select_n3A_76 = arith.select %and3A_72, %broadcast_in_dim3A_75, %select_n3A_58 : vector<128x64xi1>, vector<128x64xf32>
    %reduce_max3A_77 = arith.constant dense<0xFF800000> : vector<128xf32>
    %reduce_max3A_78 = vector.multi_reduction <maximumf>, %select_n3A_76, %reduce_max3A_77 [1] : vector<128x64xf32> to vector<128xf32>
    %broadcast_in_dim3A_79 = vector.shape_cast %reduce_max3A_78 : vector<128xf32> to vector<128x1xf32>
    %eq3A_80 = vector.broadcast %broadcast_in_dim3A_79 : vector<128x1xf32> to vector<128x64xf32>
    %eq3A_81 = arith.cmpf oeq, %select_n3A_76, %eq3A_80 : vector<128x64xf32>
    %jit3A_82 = arith.constant 64 : i32
    %broadcast_in_dim3A_83 = vector.broadcast %jit3A_82 : i32 to vector<128x64xi32>
    %select_n3A_84 = arith.select %eq3A_81, %iota3A, %broadcast_in_dim3A_83 : vector<128x64xi1>, vector<128x64xi32>
    %reduce_min3A_85 = arith.constant dense<2147483647> : vector<128xi32>
    %reduce_min3A_86 = vector.multi_reduction <minsi>, %select_n3A_84, %reduce_min3A_85 [1] : vector<128x64xi32> to vector<128xi32>
    %broadcast_in_dim3A_87 = vector.shape_cast %reduce_min3A_86 : vector<128xi32> to vector<128x1xi32>
    %eq3A_88 = vector.broadcast %broadcast_in_dim3A_87 : vector<128x1xi32> to vector<128x64xi32>
    %eq3A_89 = arith.cmpi eq, %iota3A, %eq3A_88 : vector<128x64xi32>
    %and3A_90 = arith.andi %eq3A_81, %eq3A_89 : vector<128x64xi1>
    %or3A_91 = arith.ori %or3A_73, %and3A_90 : vector<128x64xi1>
    %jit3A_92 = arith.constant -3.000000e+38 : f32
    %broadcast_in_dim3A_93 = vector.broadcast %jit3A_92 : f32 to vector<128x64xf32>
    %select_n3A_94 = arith.select %and3A_90, %broadcast_in_dim3A_93, %select_n3A_76 : vector<128x64xi1>, vector<128x64xf32>
    %reduce_max3A_95 = arith.constant dense<0xFF800000> : vector<128xf32>
    %reduce_max3A_96 = vector.multi_reduction <maximumf>, %select_n3A_94, %reduce_max3A_95 [1] : vector<128x64xf32> to vector<128xf32>
    %broadcast_in_dim3A_97 = vector.shape_cast %reduce_max3A_96 : vector<128xf32> to vector<128x1xf32>
    %eq3A_98 = vector.broadcast %broadcast_in_dim3A_97 : vector<128x1xf32> to vector<128x64xf32>
    %eq3A_99 = arith.cmpf oeq, %select_n3A_94, %eq3A_98 : vector<128x64xf32>
    %jit3A_100 = arith.constant 64 : i32
    %broadcast_in_dim3A_101 = vector.broadcast %jit3A_100 : i32 to vector<128x64xi32>
    %select_n3A_102 = arith.select %eq3A_99, %iota3A, %broadcast_in_dim3A_101 : vector<128x64xi1>, vector<128x64xi32>
    %reduce_min3A_103 = arith.constant dense<2147483647> : vector<128xi32>
    %reduce_min3A_104 = vector.multi_reduction <minsi>, %select_n3A_102, %reduce_min3A_103 [1] : vector<128x64xi32> to vector<128xi32>
    %broadcast_in_dim3A_105 = vector.shape_cast %reduce_min3A_104 : vector<128xi32> to vector<128x1xi32>
    %eq3A_106 = vector.broadcast %broadcast_in_dim3A_105 : vector<128x1xi32> to vector<128x64xi32>
    %eq3A_107 = arith.cmpi eq, %iota3A, %eq3A_106 : vector<128x64xi32>
    %and3A_108 = arith.andi %eq3A_99, %eq3A_107 : vector<128x64xi1>
    %or3A_109 = arith.ori %or3A_91, %and3A_108 : vector<128x64xi1>
    %jit3A_110 = arith.constant -3.000000e+38 : f32
    %broadcast_in_dim3A_111 = vector.broadcast %jit3A_110 : f32 to vector<128x64xf32>
    %select_n3A_112 = arith.select %and3A_108, %broadcast_in_dim3A_111, %select_n3A_94 : vector<128x64xi1>, vector<128x64xf32>
    %reduce_max3A_113 = arith.constant dense<0xFF800000> : vector<128xf32>
    %reduce_max3A_114 = vector.multi_reduction <maximumf>, %select_n3A_112, %reduce_max3A_113 [1] : vector<128x64xf32> to vector<128xf32>
    %broadcast_in_dim3A_115 = vector.shape_cast %reduce_max3A_114 : vector<128xf32> to vector<128x1xf32>
    %eq3A_116 = vector.broadcast %broadcast_in_dim3A_115 : vector<128x1xf32> to vector<128x64xf32>
    %eq3A_117 = arith.cmpf oeq, %select_n3A_112, %eq3A_116 : vector<128x64xf32>
    %jit3A_118 = arith.constant 64 : i32
    %broadcast_in_dim3A_119 = vector.broadcast %jit3A_118 : i32 to vector<128x64xi32>
    %select_n3A_120 = arith.select %eq3A_117, %iota3A, %broadcast_in_dim3A_119 : vector<128x64xi1>, vector<128x64xi32>
    %reduce_min3A_121 = arith.constant dense<2147483647> : vector<128xi32>
    %reduce_min3A_122 = vector.multi_reduction <minsi>, %select_n3A_120, %reduce_min3A_121 [1] : vector<128x64xi32> to vector<128xi32>
    %broadcast_in_dim3A_123 = vector.shape_cast %reduce_min3A_122 : vector<128xi32> to vector<128x1xi32>
    %eq3A_124 = vector.broadcast %broadcast_in_dim3A_123 : vector<128x1xi32> to vector<128x64xi32>
    %eq3A_125 = arith.cmpi eq, %iota3A, %eq3A_124 : vector<128x64xi32>
    %and3A_126 = arith.andi %eq3A_117, %eq3A_125 : vector<128x64xi1>
    %or3A_127 = arith.ori %or3A_109, %and3A_126 : vector<128x64xi1>
    %jit3A_128 = arith.constant -3.000000e+38 : f32
    %broadcast_in_dim3A_129 = vector.broadcast %jit3A_128 : f32 to vector<128x64xf32>
    %select_n3A_130 = arith.select %and3A_126, %broadcast_in_dim3A_129, %select_n3A_112 : vector<128x64xi1>, vector<128x64xf32>
    %reduce_max3A_131 = arith.constant dense<0xFF800000> : vector<128xf32>
    %reduce_max3A_132 = vector.multi_reduction <maximumf>, %select_n3A_130, %reduce_max3A_131 [1] : vector<128x64xf32> to vector<128xf32>
    %broadcast_in_dim3A_133 = vector.shape_cast %reduce_max3A_132 : vector<128xf32> to vector<128x1xf32>
    %eq3A_134 = vector.broadcast %broadcast_in_dim3A_133 : vector<128x1xf32> to vector<128x64xf32>
    %eq3A_135 = arith.cmpf oeq, %select_n3A_130, %eq3A_134 : vector<128x64xf32>
    %jit3A_136 = arith.constant 64 : i32
    %broadcast_in_dim3A_137 = vector.broadcast %jit3A_136 : i32 to vector<128x64xi32>
    %select_n3A_138 = arith.select %eq3A_135, %iota3A, %broadcast_in_dim3A_137 : vector<128x64xi1>, vector<128x64xi32>
    %reduce_min3A_139 = arith.constant dense<2147483647> : vector<128xi32>
    %reduce_min3A_140 = vector.multi_reduction <minsi>, %select_n3A_138, %reduce_min3A_139 [1] : vector<128x64xi32> to vector<128xi32>
    %broadcast_in_dim3A_141 = vector.shape_cast %reduce_min3A_140 : vector<128xi32> to vector<128x1xi32>
    %eq3A_142 = vector.broadcast %broadcast_in_dim3A_141 : vector<128x1xi32> to vector<128x64xi32>
    %eq3A_143 = arith.cmpi eq, %iota3A, %eq3A_142 : vector<128x64xi32>
    %and3A_144 = arith.andi %eq3A_135, %eq3A_143 : vector<128x64xi1>
    %or3A_145 = arith.ori %or3A_127, %and3A_144 : vector<128x64xi1>
    %jit3A_146 = arith.constant -3.000000e+38 : f32
    %broadcast_in_dim3A_147 = vector.broadcast %jit3A_146 : f32 to vector<128x64xf32>
    %select_n3A_148 = arith.select %or3A_145, %dot_general3A_10, %broadcast_in_dim3A_147 : vector<128x64xi1>, vector<128x64xf32>
    %reduce_max3A_149 = arith.constant dense<0xFF800000> : vector<128xf32>
    %reduce_max3A_150 = vector.multi_reduction <maximumf>, %select_n3A_148, %reduce_max3A_149 [1] : vector<128x64xf32> to vector<128xf32>
    %broadcast_in_dim3A_151 = vector.shape_cast %reduce_max3A_150 : vector<128xf32> to vector<128x1xf32>
    %sub3A = vector.broadcast %broadcast_in_dim3A_151 : vector<128x1xf32> to vector<128x64xf32>
    %sub3A_152 = arith.subf %dot_general3A_10, %sub3A : vector<128x64xf32>
    %exp3A = math.exp %sub3A_152 : vector<128x64xf32>
    %jit3A_153 = arith.constant 0.000000e+00 : f32
    %broadcast_in_dim3A_154 = vector.broadcast %jit3A_153 : f32 to vector<128x64xf32>
    %select_n3A_155 = arith.select %or3A_145, %exp3A, %broadcast_in_dim3A_154 : vector<128x64xi1>, vector<128x64xf32>
    %reduce_sum3A = arith.constant dense<0.000000e+00> : vector<128xf32>
    %reduce_sum3A_156 = vector.multi_reduction <add>, %select_n3A_155, %reduce_sum3A [1] : vector<128x64xf32> to vector<128xf32>
    %broadcast_in_dim3A_157 = vector.shape_cast %reduce_sum3A_156 : vector<128xf32> to vector<128x1xf32>
    %div3A = vector.broadcast %broadcast_in_dim3A_157 : vector<128x1xf32> to vector<128x64xf32>
    %div3A_158 = arith.divf %select_n3A_155, %div3A : vector<128x64xf32>
    %swap3A = arith.constant 0 : index
    %swap3A_159 = arith.constant 0 : index
    %swap3A_160 = vector.load %arg3[%swap3A, %swap3A_159] : memref<128x64xf32, #tpu.memory_space<vmem>>, vector<128x64xf32>
    tpu.vector_store %arg3[%swap3A, %swap3A_159], %div3A_158 {strides = array<i32>} : memref<128x64xf32, #tpu.memory_space<vmem>>, vector<128x64xf32>,
    return
  }
}

</mosaic_0001>

<sc_bundles>
// kernel: kernel.5.cloned.1.call-start
scs
__scs_entry_jumppad:
0x0: {  	(pc) =	sbr.rel $0x88, $3  }
0x1: {  	(tag) =	ssettag $0x0;
	lr =	simm.s32 $0x1  }
0x2: {  	[smem:$0x3F9F] =	sst lr;
	_ =	strace $0xD0000000  }
0x3: {  	_ = 	snop  }
0x4: {  	_ = 	snop  }
0x5: {  	_ = 	snop  }
0x6: {  	_ = 	snop  }
0x7: {  	_ = 	snop  }
__scs_overlays_trampoline_lowered:
0x8: {  	[smem:$0x3FAE] =	sst s0  }
0x9: {  	[smem:$0x3FAF] =	sst s1  }
0xa: {  	[smem:$0x3FB0] =	sst s2  }
0xb: {  	[smem:$0x3FB1] =	sst s3  }
0xc: {  	[smem:$0x3FB2] =	sst s4  }
0xd: {  	[smem:$0x3FB3] =	sst s5  }
0xe: {  	[smem:$0x3FB4] =	sst s6  }
0xf: {  	[smem:$0x3FB5] =	sst s7  }
0x10: {  	[smem:$0x3FB6] =	sst s8  }
0x11: {  	[smem:$0x3FB7] =	sst s9;
	s0 =	simm.s32 @!p0 $0x0  }
0x12: {  	s1 =	sld [smem:$0x3F9D];
	s0 =	simm.s32 @p0 $0x1  }
0x13: {  	[smem:$0x3FB8] =	sst s0;
	s0 =	simm.s32 @!p1 $0x0  }
0x14: {  	s2 =	sld [smem:$0x3F9C];
	s0 =	simm.s32 @p1 $0x1  }
0x15: {  	[smem:$0x3FB9] =	sst s0;
	s0 =	simm.s32 @!p2 $0x0  }
0x16: {  	s3 =	sld [smem:$0x3FDB];
	s0 =	simm.s32 @p2 $0x1  }
0x17: {  	s4 =	simm.s32 $0x1BF5;
	[smem:$0x3FBB] =	sst s0  }
0x18: {  	s0 =	sld [smem:$0x3F9E];
	_ =	swait.ge [sflag:s4], $0x0  }
0x19: {  	s7 =	sld [smem:$0x3F9F]  }
0x1a: {  	s8 =	sadd.s32 $0xFFFFE003, lr  }
0x1b: {  	s9 =	sadd.s32 $0xFFFFFEF7, lr;
	s5 =	simm.s32 $0xFFFFFFFF;
	p2 =	slt.u32 s8, $0xFFFFF086  }
0x1c: {  	p1 =	slt.u32 s9, $0xF7A;
	s5 =	simm.s32 @!p2 $0x0  }
0x1d: {  	s5 =	simm.s32 @p1 $0x1;
	p0 =	seq.s32 s7, s2  }
0x1e: {  	s7 =	smul.u32 @!p0 $0xF7A, s2;
	p2 =	seq.s32 @!p0 s5, $0x0  }
0x1f: {  	s9 =	smul.u32 $0xF7A, s1;
	s8 =	simm.s32 @!p0 $0x1BF5;
	p2 =	por !p2, p0  }
0x20: {  	[sflag:s8] =	ssyncset.s32 @!p0 $0xFFFFF086;
	s6 =	sadd.s32 @!p0 s3, s7;
	s7 =	simm.s32 @!p0 $0x108  }
0x21: {  	s3 =	sadd.s32 s3, s9;
	s6 =	sadd.s32 @!p0 $0x88, s6;
	s7 =	simm.s32 @p2 $0x1082  }
0x22: {  	[simem:s7], [sflag:s8] =	dma.local @!p0 [hbm:s6], $0xF7A  }
0x23: {  	s9 =	sor.u32 $0xD0000000, s2;
	s6 =	simm.s32 $0x108;
	_ =	swait.ge @!p0 [sflag:s8], $0x0  }
0x24: {  	s3 =	sadd.s32 $0x88, s3;
	s6 =	simm.s32 @!p1 $0x1082;
	[sflag:s4] =	ssyncset.s32 $0xFFFFF086  }
0x25: {  	[simem:s6], [sflag:s4] =	dma.local [hbm:s3], $0xF7A  }
0x26: {  	[smem:$0x3F9F] =	sst s1;
	(tag) =	ssettag s2;
	_ =	strace s9  }
0x27: {  	s1 =	sld [smem:$0x3FAF]  }
0x28: {  	s2 =	sld [smem:$0x3FB0]  }
0x29: {  	s4 =	sld [smem:$0x3FB2]  }
0x2a: {  	p0 =	seq.s32 s5, $0x0;
	s5 =	sld [smem:$0x3FB3]  }
0x2b: {  	s6 =	sld [smem:$0x3FB4]  }
0x2c: {  	s7 =	sld [smem:$0x3FB5]  }
0x2d: {  	s3 =	simm.s32 $0x108;
	s8 =	sld [smem:$0x3FB6]  }
0x2e: {  	s3 =	simm.s32 @!p0 $0x1082;
	s9 =	sld [smem:$0x3FB7]  }
0x2f: {  	lr =	sadd.s32 s0, s3;
	s0 =	sld [smem:$0x3FAE]  }
0x30: {  	s3 =	sld [smem:$0x3FB1]  }
0x31: {  	[smem:$0x3FBA] =	sst s10  }
0x32: {  	s10 =	sld [smem:$0x3FB8];
	_ =	sdelay $0x3  }
0x33: {  	p0 =	seq.s32 s10, $0x1;
	s10 =	sld [smem:$0x3FBA];
	_ =	sdelay $0x3  }
0x34: {  	[smem:$0x3FBA] =	sst s10  }
0x35: {  	s10 =	sld [smem:$0x3FB9];
	_ =	sdelay $0x3  }
0x36: {  	p1 =	seq.s32 s10, $0x1;
	s10 =	sld [smem:$0x3FBA];
	_ =	sdelay $0x3  }
0x37: {  	[smem:$0x3FBA] =	sst s10  }
0x38: {  	s10 =	sld [smem:$0x3FBB]  }
0x39: {  	_ = 	snop;
	(pc) =	sbr.ind lr, $3  }
0x3a: {  	_ = 	snop  }
0x3b: {  	_ = 	snop  }
0x3c: {  	p2 =	seq.s32 s10, $0x1;
	s10 =	sld [smem:$0x3FBA]  }
0x3d: {  	_ =	shalt  }
0x3e: {  	_ =	shalt  }
0x3f: {  	_ =	shalt  }
0x40: {  	_ =	shalt  }
0x41: {  	_ =	shalt  }
0x42: {  	_ =	shalt  }
0x43: {  	_ =	shalt  }
0x44: {  	_ =	shalt  }
0x45: {  	_ =	shalt  }
0x46: {  	_ =	shalt  }
0x47: {  	_ =	shalt  }
0x48: {  	_ =	shalt  }
0x49: {  	_ =	shalt  }
0x4a: {  	_ =	shalt  }
0x4b: {  	_ =	shalt  }
0x4c: {  	_ =	shalt  }
0x4d: {  	_ =	shalt  }
0x4e: {  	_ =	shalt  }
0x4f: {  	_ =	shalt  }
0x50: {  	_ =	shalt  }
0x51: {  	_ =	shalt  }
0x52: {  	_ =	shalt  }
0x53: {  	_ =	shalt  }
0x54: {  	_ =	shalt  }
0x55: {  	_ =	shalt  }
0x56: {  	_ =	shalt  }
0x57: {  	_ =	shalt  }
0x58: {  	_ =	shalt  }
0x59: {  	_ =	shalt  }
0x5a: {  	_ =	shalt  }
0x5b: {  	_ =	shalt  }
0x5c: {  	_ =	shalt  }
0x5d: {  	_ =	shalt  }
0x5e: {  	_ =	shalt  }
0x5f: {  	_ =	shalt  }
0x60: {  	_ =	shalt  }
0x61: {  	_ =	shalt  }
0x62: {  	_ =	shalt  }
0x63: {  	_ =	shalt  }
0x64: {  	_ =	shalt  }
0x65: {  	_ =	shalt  }
0x66: {  	_ =	shalt  }
0x67: {  	_ =	shalt  }
0x68: {  	_ =	shalt  }
0x69: {  	_ =	shalt  }
0x6a: {  	_ =	shalt  }
0x6b: {  	_ =	shalt  }
0x6c: {  	_ =	shalt  }
0x6d: {  	_ =	shalt  }
0x6e: {  	_ =	shalt  }
0x6f: {  	_ =	shalt  }
0x70: {  	_ =	shalt  }
0x71: {  	_ =	shalt  }
0x72: {  	_ =	shalt  }
0x73: {  	_ =	shalt  }
0x74: {  	_ =	shalt  }
0x75: {  	_ =	shalt  }
0x76: {  	_ =	shalt  }
0x77: {  	_ =	shalt  }
0x78: {  	_ =	shalt  }
0x79: {  	_ =	shalt  }
0x7a: {  	_ =	shalt  }
0x7b: {  	_ =	shalt  }
0x7c: {  	_ =	shalt  }
0x7d: {  	_ =	shalt  }
0x7e: {  	_ =	shalt  }
0x7f: {  	_ =	shalt  }
0x80: {  	_ =	shalt  }
0x81: {  	_ =	shalt  }
0x82: {  	_ =	shalt  }
0x83: {  	_ =	shalt  }
0x84: {  	_ =	shalt  }
0x85: {  	_ =	shalt  }
0x86: {  	_ =	shalt  }
0x87: {  	_ =	shalt  }
.Lfunc_end0:
.L_simem_size_0:
called_computation_lowered:
.L_overlay_start_0:
0x88: {  	s2 =	sld [smem:$0x3FD9]  }
0x89: {  	s3 =	sld [smem:$0x3FFE];
	_ =	sdelay $0x1  }
0x8a: {  	s1 =	srdreg.scid  }
0x8b: {  	s0 =	sand.u32 $0x1, s1  }
0x8c: {  	s17 =	sshll.u32 s0, $0xA;
	s2 =	sadd.s32 s3, s2  }
0x8d: {  	s2 =	sadd.s32 s2, s17  }
0x8e: {  	[smem:$0x3FC6] =	sst s2  }
0x8f: {  	_ = 	snop  }
0x90: {  	s2 =	sld [smem:$0x3FC9];
	(tm) =	ssettm $0x1  }
0x91: {  	s18 =	sld [smem:$0x3FFB];
	_ =	sdelay $0x3  }
0x92: {  	_ =	strace s18  }
0x93: {  	s3 =	sld [smem:$0x3FFC];
	_ =	sdelay $0x3  }
0x94: {  	_ =	strace s3  }
0x95: {  	s3 =	sld [smem:$0x3FFD];
	_ =	sdelay $0x3  }
0x96: {  	_ =	strace s3  }
0x97: {  	_ =	strace $0x8FFFFFFF  }
0x98: {  	s19 =	sld [smem:$0x3FDB];
	_ =	sdelay $0x1  }
0x99: {  	s4 =	simm.s32 $_scs_section_size  }
0x9a: {  	s5 =	simm.s32 $_size__tile_overlayer_lowered;
	s6 =	simm.s32 $_tile_overlayer_lowered  }
0x9b: {  	s22 =	simm.s32 $0x1BFF;
	s21 =	sshll.u32 s6, $0x1;
	s3 =	sadd.s32 s4, s19  }
0x9c: {  	s7 =	simm.s32 $0x0;
	s20 =	sshll.u32 s5, $0x1;
	s5 =	sadd.s32 s21, s3  }
0x9d: {  	[timem:s7], [sflag:s22] =	dma.local [hbm:s5], s20  }
0x9e: {  	_ =	swait.ge [sflag:s22], s20  }
0x9f: {  	s4 =	ssub.s32 $0x0, s20;
	[sflag:s22] =	ssyncset.done $0x0  }
0xa0: {  	[sflag:s22] =	ssyncadd.s32 s4;
	_ =	sdelay $0x1  }
0xa1: {  	s23 =	simm.s32 $0x1B8B  }
0xa2: {  	_ =	swait.ge [sflag:s23], $0x1  }
0xa3: {  	[sflag:s23] =	ssyncset.done $0x0  }
0xa4: {  	s25 =	simm.s32 $0x1B8E;
	s24 =	sld [smem:$0x3FFE];
	[sflag:s23] =	ssyncadd.s32 $0xFFFFFFFF  }
0xa5: {  	s26 =	simm.s32 $execute0_lowered;
	[smem:$0x3FD2] =	sst s25  }
0xa6: {  	s5 =	sshll.u32 s26, $0x1;
	_ =	strace $0x80000046;
	[dreg:$0x1] =	wrdreg $0xFFFFFFFF  }
0xa7: {  	s28 =	simm.s32 $_size_execute0_lowered;
	s3 =	sadd.s32 s3, s5;
	[dreg:$0x0] =	wrdreg $0x0  }
0xa8: {  	s5 =	sshll.u32 s28, $0x1;
	[dreg:$0x2] =	wrdreg s3  }
0xa9: {  	[dreg:$0x3] =	wrdreg s5  }
0xaa: {  	[dreg:$0x4] =	wrdreg $0xC0  }
0xab: {  	_ =	task [dreg:s7], $0x5FFFF  }
0xac: {  	[dreg:$0x1] =	wrdreg $0xFFFFFFFF  }
0xad: {  	[dreg:$0x0] =	wrdreg $0x60  }
0xae: {  	[dreg:$0x2] =	wrdreg s2  }
0xaf: {  	[dreg:$0x3] =	wrdreg s24  }
0xb0: {  	[dreg:$0x4] =	wrdreg $0x9  }
0xb1: {  	_ =	task.clear_ibuf [dreg:s7], $0x5FFFF;
	_ =	strace $0x90000046  }
0xb2: {  	s29 =	simm.s32 $0x9;
	_ =	strace $0x80000048  }
0xb3: {  	_ =	swait.ge [sflag:s29], $0x1  }
0xb4: {  	[sflag:s29] =	ssyncadd.s32 $0xFFFFFFFF  }
0xb5: {  	_ =	strace $0x90000048  }
0xb6: {  	_ =	sfence  }
0xb7: {  	s30 =	sld [smem:$0x0];
	_ =	sdelay $0x2  }
0xb8: {  	s31 =	sshll.u32 s1, $0xD;
	s1 =	sshrl.u32 s1, $0x2  }
0xb9: {  	s3 =	sand.u32 $0x4000, s31;
	s1 =	sadd.s32 s1, s30  }
0xba: {  	s0 =	sor.u32 s3, s0;
	s1 =	sshll.u32 s1, $0x11  }
0xbb: {  	s0 =	sor.u32 s1, s0  }
0xbc: {  	s0 =	sadd.s32 $0x8F2B, s0  }
0xbd: {  	[sflag:s0] =	ssyncadd.remote.s32 $0x1  }
0xbe: {  	_ =	sfence.sel $0xFFFF  }
0xbf: {  	[dreg:$0x0] =	wrdreg $0xFFFFFFFF;
	(pc) =	sbr.abs _section_cstart, $3  }
0xc0: {  	[dreg:$0x1] =	wrdreg $0xFFFFFFFF  }
0xc1: {  	_ =	task.clear_ibuf [dreg:s7], $0x2FFFF;
	_ =	strace $0x9FFFFFFF  }
0xc2: {  	(tm) =	ssettm $0x7FFFFFFF  }
0xc3: {  	_ =	shalt  }
tec
execute0_lowered:
.L_overlay_start_1:
0x0: {  	(tag) =	ssettag $0x1  }
0x1: {  	s2 =	rddreg [dreg:$0x0];
	s1 =	srdreg.scid  }
0x2: {  	s0 =	stileid.u32;
	s4 =	rddreg [dreg:$0x1];
	s3 =	simm.s32 $0x0  }
0x3: {  	s9 =	simm.s32 $0xC00;
	s10 =	simm.s32 $0x1800;
	s11 =	simm.s32 $0x2400  }
0x4: {  	s12 =	simm.s32 $0x3000;
	s13 =	simm.s32 $0x3C00;
	s14 =	simm.s32 $0x4800  }
0x5: {  	s15 =	simm.s32 $0x5400;
	s16 =	simm.s32 $0x1;
	s17 =	simm.s32 $0x6000  }
0x6: {  	s18 =	simm.s32 $0x0;
	s5 =	sand.u32 $0x1, s1;
	s6 =	smul.u32 $0x1800, s0  }
0x7: {  	s1 =	rddreg [dreg:$0x2];
	s7 =	sshll.u32 s5, $0x9;
	s5 =	ssub.s32 $0x2, s5  }
0x8: {  	[smem:$0x7FF] =	sst s3;
	s6 =	sor.u32 s7, s6;
	s8 =	sshrl.u32 s5, $0x1  }
0x9: {  	_ =	strace $0x80000047;
	s7 =	sshrl.u32 s6, $0x3;
	s8 =	ssub.s32 s5, s8  }
0xa: {  	s7 =	sadd.s32 s7, s4;
	s4 =	sor.u32 $0xD20000, s6;
	s6 =	smax.u32 s8, $0x1  }
0xb: {  	v0 =	vimm.f32 $0.0e+00;
	s8 =	simm.s32 $0x400;
	s5 =	sadd.s32 $0x800, s7;
	s7 =	simm.s32 $0x200  }
.LBB2_1:
0xc: {  	s19 =	sand.u32 $0x70, s3;
	s20 =	sand.u32 $0xE00, s3  }
0xd: {  	s22 =	sor.u32 s19, s20  }
0xe: {  	[tilespmem:s22+$0x6180] =	vst v0  }
0xf: {  	[tilespmem:s22+$0x6000] =	vst v0  }
0x10: {  	s21 =	simm.s32 $0x0;
	s20 =	simm.s32 $0x10;
	[tilespmem:s22+$0x6080] =	vst v0  }
.LBB2_2:
0x11: {  	s19 =	sand.u32 $0x70, s20;
	[tilespmem:s22+$0x6100] =	vst v0;
	s21 =	sadd.s32 $0x40, s21;
	p0 =	sne.s32 s20, $0x2F0  }
.Ltmp0:
0x12: {  	s20 =	sadd.s32 $0x10, s20;
	s22 =	sand.u32 $0xE00, s21;
	(pc) =	sbr.rel @p0 .LBB2_2-.Ltmp0, $4  }
0x13: {  	s22 =	sor.u32 s19, s22  }
0x14: {  	s19 =	simm.s32 $0x0;
	[tilespmem:s22+$0x6180] =	vst v0  }
0x15: {  	[tilespmem:s22+$0x6000] =	vst v0  }
0x16: {  	[tilespmem:s22+$0x6080] =	vst v0  }
0x17: {  	[tilespmem:s22+$0x6100] =	vst v0;
	s20 =	simm.s32 $0x0  }
.LBB2_4:
0x18: {  	s21 =	smul.u32 $0xC0000, s20;
	_ =	sdelay $0x1  }
0x19: {  	s21 =	sadd.s32 s4, s21  }
0x1a: {  	s21 =	sshrl.u32 s21, $0x3  }
0x1b: {  	s21 =	sadd.s32 s2, s21  }
0x1c: {  	[tilespmem:s19], [sflag:$0x1] =	stream.strided.gather [hbm4b:s21+s7], $0xC00, s8, s7, $0x38;
	[tilespmem:$0x6C00] =	vst v63  }
0x1d: {  	s22 =	sadd.s32 $0x3000, s21  }
0x1e: {  	[tilespmem:s9], [sflag:$0x1] =	stream.strided.gather [hbm4b:s22+s7], $0xC00, s8, s7, $0x38;
	[tilespmem:$0x6C00] =	vst v63  }
0x1f: {  	s24 =	sadd.s32 $0x6000, s21  }
0x20: {  	[tilespmem:s10], [sflag:$0x1] =	stream.strided.gather [hbm4b:s24+s7], $0xC00, s8, s7, $0x38;
	[tilespmem:$0x6C00] =	vst v63  }
0x21: {  	s25 =	sadd.s32 $0x9000, s21  }
0x22: {  	[tilespmem:s11], [sflag:$0x1] =	stream.strided.gather [hbm4b:s25+s7], $0xC00, s8, s7, $0x38;
	[tilespmem:$0x6C00] =	vst v63  }
0x23: {  	s26 =	sadd.s32 $0xC000, s21  }
0x24: {  	[tilespmem:s12], [sflag:$0x1] =	stream.strided.gather [hbm4b:s26+s7], $0xC00, s8, s7, $0x38;
	[tilespmem:$0x6C00] =	vst v63  }
0x25: {  	s28 =	sadd.s32 $0xF000, s21  }
0x26: {  	[tilespmem:s13], [sflag:$0x1] =	stream.strided.gather [hbm4b:s28+s7], $0xC00, s8, s7, $0x38;
	[tilespmem:$0x6C00] =	vst v63  }
0x27: {  	s29 =	sadd.s32 $0x12000, s21  }
0x28: {  	[tilespmem:s14], [sflag:$0x1] =	stream.strided.gather [hbm4b:s29+s7], $0xC00, s8, s7, $0x38;
	[tilespmem:$0x6C00] =	vst v63  }
0x29: {  	s21 =	sadd.s32 $0x15000, s21  }
0x2a: {  	[tilespmem:s15], [sflag:$0x1] =	stream.strided.gather [hbm4b:s21+s7], $0xC00, s8, s7, $0x38;
	[tilespmem:$0x6C00] =	vst v63  }
0x2b: {  	_ =	swait.ge [sflag:s16], $0x6000  }
0x2c: {  	s30 =	sand.u32 $0x70, s19;
	s31 =	sand.u32 $0xE00, s19;
	[sflag:s16] =	ssyncset.done $0x0  }
0x2d: {  	s21 =	sor.u32 s30, s31;
	[sflag:s16] =	ssyncadd.s32 $0xFFFFA000  }
0x2e: {  	v3 =	vld [tilespmem:s21+$0x5400]  }
0x2f: {  	v1 =	vld [tilespmem:s21+$0x5480]  }
0x30: {  	v4 =	vld [tilespmem:s21+$0x4800]  }
0x31: {  	v2 =	vld [tilespmem:s21+$0x4880]  }
0x32: {  	v6 =	vld [tilespmem:s21+$0x3C00]  }
0x33: {  	v5 =	vld [tilespmem:s21+$0x3C80]  }
0x34: {  	v8 =	vld [tilespmem:s21+$0x3000]  }
0x35: {  	v7 =	vld [tilespmem:s21+$0x3080]  }
0x36: {  	v10 =	vld [tilespmem:s21+$0x2400]  }
0x37: {  	v9 =	vld [tilespmem:s21+$0x2480]  }
0x38: {  	v12 =	vld [tilespmem:s21+$0x1800]  }
0x39: {  	v11 =	vld [tilespmem:s21+$0x1880]  }
0x3a: {  	v14 =	vld [tilespmem:s21+$0xC00]  }
0x3b: {  	v13 =	vld [tilespmem:s21+$0xC80]  }
0x3c: {  	v18 =	vld [tilespmem:s21+$0x0]  }
0x3d: {  	v17 =	vld [tilespmem:s21+$0x80]  }
0x3e: {  	v16 =	vld [tilespmem:s21+$0x100]  }
0x3f: {  	v15 =	vld [tilespmem:s21+$0x180]  }
0x40: {  	v20 =	vld [tilespmem:s21+$0x6000]  }
0x41: {  	s23 =	simm.s32 $0x0;
	s22 =	simm.s32 $0x10;
	v19 =	vld [tilespmem:s21+$0x6080]  }
.LBB2_5:
0x42: {  	p0 =	sne.s32 s22, $0x2F0;
	v21 =	vld [tilespmem:s21+$0x6100]  }
0x43: {  	v22 =	vld [tilespmem:s21+$0x6180]  }
0x44: {  	v23 =	vld [tilespmem:s21+$0xD00]  }
0x45: {  	v18 =	vadd.f32 v18, v20;
	v20 =	vld [tilespmem:s21+$0xD80]  }
0x46: {  	v17 =	vadd.f32 v17, v19;
	v19 =	vld [tilespmem:s21+$0x1900]  }
0x47: {  	v14 =	vadd.f32 v14, v18;
	v16 =	vadd.f32 v16, v21;
	v18 =	vld [tilespmem:s21+$0x1980]  }
0x48: {  	v13 =	vadd.f32 v13, v17;
	v17 =	vld [tilespmem:s21+$0x2500];
	v15 =	vadd.f32 v15, v22  }
0x49: {  	v12 =	vadd.f32 v12, v14;
	v14 =	vadd.f32 v23, v16;
	v16 =	vld [tilespmem:s21+$0x2580]  }
0x4a: {  	v11 =	vadd.f32 v11, v13;
	v13 =	vld [tilespmem:s21+$0x3100];
	v15 =	vadd.f32 v20, v15  }
0x4b: {  	v10 =	vadd.f32 v10, v12;
	v12 =	vadd.f32 v19, v14;
	v14 =	vld [tilespmem:s21+$0x3180]  }
0x4c: {  	v9 =	vadd.f32 v9, v11;
	v11 =	vld [tilespmem:s21+$0x3D00];
	v15 =	vadd.f32 v18, v15  }
0x4d: {  	v8 =	vadd.f32 v8, v10;
	v10 =	vadd.f32 v17, v12;
	v12 =	vld [tilespmem:s21+$0x3D80]  }
0x4e: {  	v7 =	vadd.f32 v7, v9;
	v9 =	vld [tilespmem:s21+$0x4900];
	v15 =	vadd.f32 v16, v15  }
0x4f: {  	s23 =	sadd.s32 $0x40, s23;
	v6 =	vadd.f32 v6, v8;
	v8 =	vadd.f32 v13, v10;
	v10 =	vld [tilespmem:s21+$0x4980]  }
0x50: {  	s24 =	sand.u32 $0x70, s22;
	s25 =	sand.u32 $0xE00, s23;
	v5 =	vadd.f32 v5, v7;
	v7 =	vld [tilespmem:s21+$0x5500];
	v13 =	vadd.f32 v14, v15  }
0x51: {  	s24 =	sor.u32 s24, s25;
	v4 =	vadd.f32 v4, v6;
	v6 =	vadd.f32 v11, v8;
	v8 =	vld [tilespmem:s21+$0x5580]  }
0x52: {  	v11 =	vld [tilespmem:s24+$0x5400];
	v2 =	vadd.f32 v2, v5;
	v5 =	vadd.f32 v12, v13  }
0x53: {  	v12 =	vld [tilespmem:s24+$0x5480];
	v3 =	vadd.f32 v3, v4;
	v6 =	vadd.f32 v9, v6  }
0x54: {  	v4 =	vld [tilespmem:s24+$0x4800];
	v1 =	vadd.f32 v1, v2;
	v5 =	vadd.f32 v10, v5  }
0x55: {  	v2 =	vld [tilespmem:s24+$0x4880];
	[tilespmem:s21+$0x6000] =	vst v3;
	v7 =	vadd.f32 v7, v6  }
0x56: {  	v6 =	vld [tilespmem:s24+$0x3C00];
	[tilespmem:s21+$0x6080] =	vst v1;
	v9 =	vadd.f32 v8, v5  }
0x57: {  	v5 =	vld [tilespmem:s24+$0x3C80];
	[tilespmem:s21+$0x6100] =	vst v7;
	v3 =	vmov v11  }
0x58: {  	v8 =	vld [tilespmem:s24+$0x3000];
	[tilespmem:s21+$0x6180] =	vst v9;
	v1 =	vmov v12;
	s21 =	smov.u32 s24  }
0x59: {  	v7 =	vld [tilespmem:s21+$0x3080]  }
0x5a: {  	v10 =	vld [tilespmem:s21+$0x2400]  }
0x5b: {  	v9 =	vld [tilespmem:s21+$0x2480]  }
0x5c: {  	v12 =	vld [tilespmem:s21+$0x1800]  }
0x5d: {  	v11 =	vld [tilespmem:s21+$0x1880]  }
0x5e: {  	v14 =	vld [tilespmem:s21+$0xC00]  }
0x5f: {  	v13 =	vld [tilespmem:s21+$0xC80]  }
0x60: {  	v18 =	vld [tilespmem:s21+$0x0]  }
.Ltmp1:
0x61: {  	v17 =	vld [tilespmem:s21+$0x80];
	(pc) =	sbr.rel @p0 .LBB2_5-.Ltmp1, $4  }
0x62: {  	v16 =	vld [tilespmem:s21+$0x100]  }
0x63: {  	v15 =	vld [tilespmem:s21+$0x180]  }
0x64: {  	v20 =	vld [tilespmem:s21+$0x6000]  }
0x65: {  	s22 =	sadd.s32 $0x10, s22;
	v19 =	vld [tilespmem:s21+$0x6080]  }
0x66: {  	v21 =	vld [tilespmem:s21+$0x6100]  }
0x67: {  	v22 =	vld [tilespmem:s21+$0x6180]  }
0x68: {  	v23 =	vld [tilespmem:s21+$0xD00]  }
0x69: {  	v43 =	vld [tilespmem:s21+$0xD80];
	v18 =	vadd.f32 v18, v20  }
0x6a: {  	v44 =	vld [tilespmem:s21+$0x1900];
	v17 =	vadd.f32 v17, v19  }
0x6b: {  	v45 =	vld [tilespmem:s21+$0x1980];
	v14 =	vadd.f32 v14, v18;
	v16 =	vadd.f32 v16, v21  }
0x6c: {  	v46 =	vld [tilespmem:s21+$0x2500];
	v15 =	vadd.f32 v15, v22;
	v13 =	vadd.f32 v13, v17  }
0x6d: {  	v48 =	vld [tilespmem:s21+$0x2580];
	v12 =	vadd.f32 v12, v14;
	v47 =	vadd.f32 v23, v16  }
0x6e: {  	v49 =	vld [tilespmem:s21+$0x3100];
	v15 =	vadd.f32 v43, v15;
	v11 =	vadd.f32 v11, v13  }
0x6f: {  	v51 =	vld [tilespmem:s21+$0x3180];
	v10 =	vadd.f32 v10, v12;
	v50 =	vadd.f32 v44, v47  }
0x70: {  	v52 =	vld [tilespmem:s21+$0x3D00];
	v15 =	vadd.f32 v45, v15;
	v9 =	vadd.f32 v9, v11  }
0x71: {  	v54 =	vld [tilespmem:s21+$0x3D80];
	v8 =	vadd.f32 v8, v10;
	v53 =	vadd.f32 v46, v50  }
0x72: {  	v55 =	vld [tilespmem:s21+$0x4900];
	v15 =	vadd.f32 v48, v15;
	v7 =	vadd.f32 v7, v9  }
0x73: {  	v57 =	vld [tilespmem:s21+$0x4980];
	v6 =	vadd.f32 v6, v8;
	v56 =	vadd.f32 v49, v53  }
0x74: {  	v58 =	vld [tilespmem:s21+$0x5500];
	v59 =	vadd.f32 v51, v15;
	v5 =	vadd.f32 v5, v7  }
0x75: {  	v61 =	vld [tilespmem:s21+$0x5580];
	v4 =	vadd.f32 v4, v6;
	v60 =	vadd.f32 v52, v56  }
0x76: {  	s20 =	sadd.s32 $0x1, s20;
	v62 =	vadd.f32 v54, v59;
	v2 =	vadd.f32 v2, v5  }
0x77: {  	p0 =	sne.s32 s20, $0x7;
	v3 =	vadd.f32 v3, v4;
	v63 =	vadd.f32 v55, v60  }
.Ltmp2:
0x78: {  	v1 =	vadd.f32 v1, v2;
	v2 =	vadd.f32 v57, v62;
	(pc) =	sbr.rel @p0 .LBB2_4-.Ltmp2, $4  }
0x79: {  	[tilespmem:s21+$0x6000] =	vst v3;
	v3 =	vadd.f32 v58, v63  }
0x7a: {  	[tilespmem:s21+$0x6080] =	vst v1;
	v1 =	vadd.f32 v61, v2  }
0x7b: {  	[tilespmem:s21+$0x6100] =	vst v3  }
0x7c: {  	[tilespmem:s21+$0x6180] =	vst v1  }
0x7d: {  	s18 =	sadd.s32 $0x1, s18  }
0x7e: {  	p0 =	sne.s32 s18, s6  }
.Ltmp3:
0x7f: {  	_ = 	snop;
	(pc) =	sbr.rel @p0 .LBB2_1-.Ltmp3, $4  }
0x80: {  	[hbm4b:s5+s7] =	stream.strided.scatter [tilespmem:s17], [sflag:$0x1], $0xC00, s8, s7, $0x38;
	[tilespmem:$0x6C00] =	vst v63  }
0x81: {  	_ =	swait.ge [sflag:s16], $0xC00  }
0x82: {  	[sflag:s16] =	ssyncset.done $0x0  }
0x83: {  	[sflag:s16] =	ssyncadd.s32 $0xFFFFF400  }
0x84: {  	_ =	sfence.sel $0x180000  }
0x85: {  	[bflag:$0x0] =	sbarrier.arrive $0xFFFF  }
0x86: {  	p0 =	sne.s32 s0, $0x0;
	_ =	strace $0x90000047  }
0x87: {  	s0 =	sadd.s32 @!p0 $0x100000, s1;
	[bflag:$0x2] =	sbarrier.arrive $0xFFFF  }
0x88: {  	[sflag:s0] =	ssyncadd.tile.s32 @!p0 $0x1;
	_ =	shalt  }
.Lfunc_end2:
_tile_overlayer_lowered:
.L_overlay_start_2:
0x89: {  	(tag) =	ssettag $0x2  }
0x8a: {  	s0 =	rddreg [dreg:$0x0];
	s2 =	stileid.u32  }
0x8b: {  	s1 =	rddreg [dreg:$0x1];
	p0 =	sne.s32 s2, $0x0  }
0x8c: {  	s3 =	rddreg [dreg:$0x2];
	[bflag:$0x3] =	sbarrier.arrive $0xFFFF;
	s2 =	simm.s32 @!p0 $0x1C01  }
0x8d: {  	[timem:s3], [sflag:s2] =	dma.local @!p0 [hbm:s0], s1  }
0x8e: {  	s0 =	simm.s32 @!p0 $0x1  }
0x8f: {  	_ =	swait.ge @!p0 [sflag:s0], s1  }
0x90: {  	s1 =	ssub.s32 @!p0 $0x0, s1;
	[sflag:s0] =	ssyncset.done @!p0 $0x0  }
0x91: {  	[sflag:s0] =	ssyncadd.s32 @!p0 s1  }
0x92: {  	[bflag:$0x3] =	sbarrier.arrive $0xFFFF  }
0x93: {  	_ =	shalt  }

</sc_bundles>
